<compile_context>
chip_gen: v7x
topology: tpu7x:2x2x1
jax: 0.10.2.dev20260603
libtpu: 0.0.44.dev20260713+nightly
codegen_flags: <defaults>
</compile_context>

<pallas_src>
import functools

import jax
import jax.numpy as jnp
from jax import lax
from jax.experimental import pallas as pl
from jax.experimental.pallas import tpu as pltpu
from jax.experimental.pallas import tpu_sc as plsc

B, N, D = 4, 1024, 768
HID = 3072
E = 10
MIX_HID = 1024
LANES = 16


def _gelu(v):
    return jax.nn.gelu(v, approximate=True)


def _router_body(x_ref, c_ref, ada_w_ref, ada_b_ref, router_w_ref,
                 ada_ref, lg_ref):
    xm = jnp.mean(x_ref[...], axis=1)
    cc = c_ref[...]
    sc = cc * jax.nn.sigmoid(cc)
    ada = jax.lax.dot_general(sc, ada_w_ref[...], (((1,), (1,)), ((), ())),
                              preferred_element_type=jnp.float32)
    ada = ada + ada_b_ref[...]
    ada_ref[...] = ada
    shift_mom = ada[:, 0:D]
    scale_mom = ada[:, D:2 * D]
    ri = xm * (1.0 + scale_mom) + shift_mom
    logits = jax.lax.dot_general(ri, router_w_ref[...], (((1,), (1,)), ((), ())),
                                 preferred_element_type=jnp.float32)
    lg_ref[:, 0:E] = logits
    lg_ref[:, E:LANES] = jnp.full((B, LANES - E), -1e30, jnp.float32)


def _sc_router_body(lg_hbm, idx_hbm, aux_hbm, lg_v, idx_v, aux_v):
    info = plsc.get_sparse_core_info()
    wid = lax.axis_index("s") * info.num_cores + lax.axis_index("c")

    @pl.when(wid == 0)
    def _():
        pltpu.sync_copy(lg_hbm, lg_v)
        lane = lax.iota(jnp.int32, LANES)

        def take16(v, i):
            return lax.gather(
                v, i[:, None],
                lax.GatherDimensionNumbers(offset_dims=(),
                                           collapsed_slice_dims=(0,),
                                           start_index_map=(0,)),
                (1,), mode=lax.GatherScatterMode.PROMISE_IN_BOUNDS)

        def bfly(v, op):
            for k in (1, 2, 4, 8):
                v = op(v, take16(v, lane ^ k))
            return v

        psum = jnp.zeros((LANES,), jnp.float32)
        cnt = jnp.zeros((LANES,), jnp.float32)
        idxv = jnp.zeros((LANES,), jnp.int32)
        for b in range(B):
            row = lg_v[b]
            bmax = bfly(row, jnp.maximum)
            p = jnp.exp(row - bmax)
            pr = p / bfly(p, jnp.add)
            psum = psum + pr
            im = jnp.where(row == bmax, lane, LANES)
            top = bfly(im, jnp.minimum)
            onehot = jnp.where(lane == top, 1.0, 0.0)
            cnt = cnt + onehot
            idxv = jnp.where(lane == b, top, idxv)
        aux_vec = psum * cnt * (E / (B * B))
        aux_out = bfly(aux_vec, jnp.add)
        idx_v[...] = idxv
        aux_v[...] = aux_out
        pltpu.sync_copy(idx_v, idx_hbm)
        pltpu.sync_copy(aux_v, aux_hbm)


_sc_router = functools.partial(
    pl.kernel,
    _sc_router_body,
    out_type=(
        jax.ShapeDtypeStruct((LANES,), jnp.int32),
        jax.ShapeDtypeStruct((LANES,), jnp.float32),
    ),
    mesh=plsc.VectorSubcoreMesh(core_axis_name="c", subcore_axis_name="s"),
    scratch_types=[
        pltpu.VMEM((B, LANES), jnp.float32),
        pltpu.VMEM((LANES,), jnp.int32),
        pltpu.VMEM((LANES,), jnp.float32),
    ],
)


def _block_body(idx_ref, x_ref, ada_ref, w1_ref, b1_ref, w2_ref, b2_ref,
                out_w_ref, out_b_ref, fc1_ref, fc1_b_ref, fc2_ref, fc2_b_ref,
                out_ref):
    del idx_ref
    xb = x_ref[0]
    a = ada_ref[0]
    shift = a[:, 0:D]
    scale = a[:, D:2 * D]
    gate_mom = a[:, 2 * D:3 * D]
    shift_mlp = a[:, 3 * D:4 * D]
    scale_mlp = a[:, 4 * D:5 * D]
    gate_mlp = a[:, 5 * D:6 * D]

    mx = xb * (1.0 + scale) + shift
    mu = jnp.mean(mx, axis=0, keepdims=True)
    var = jnp.mean((mx - mu) ** 2, axis=0, keepdims=True)
    xn = (mx - mu) * jax.lax.rsqrt(var + 1e-5)
    w1 = w1_ref[0]
    h = jax.lax.dot_general(xn, w1, (((0,), (1,)), ((), ())),
                            preferred_element_type=jnp.float32)
    g = _gelu(h + b1_ref[0])
    w2 = w2_ref[0]
    ot = jax.lax.dot_general(g, w2, (((1,), (1,)), ((), ())),
                             preferred_element_type=jnp.float32)
    ot = ot + b2_ref[0]

    y = jax.lax.dot_general(ot, out_w_ref[...], (((0,), (1,)), ((), ())),
                            preferred_element_type=jnp.float32)
    y = y + out_b_ref[...]
    TT = N // 2
    for t in range(2):
        x1 = xb[t * TT:(t + 1) * TT, :] + gate_mom * y[t * TT:(t + 1) * TT, :]
        mu2 = jnp.mean(x1, axis=1, keepdims=True)
        var2 = jnp.mean((x1 - mu2) ** 2, axis=1, keepdims=True)
        xn2 = (x1 - mu2) * jax.lax.rsqrt(var2 + 1e-6)
        mod = xn2 * (1.0 + scale_mlp) + shift_mlp
        hm = jax.lax.dot_general(mod, fc1_ref[...], (((1,), (1,)), ((), ())),
                                 preferred_element_type=jnp.float32)
        gm = _gelu(hm + fc1_b_ref[...])
        mlp = jax.lax.dot_general(gm, fc2_ref[...], (((1,), (1,)), ((), ())),
                                  preferred_element_type=jnp.float32)
        mlp = mlp + fc2_b_ref[...]
        out_ref[0, t * TT:(t + 1) * TT, :] = x1 + gate_mlp * mlp


@jax.jit
def kernel(x, c, ada_w, ada_b, router_w, out_w, out_b,
           exp_fc1_w, exp_fc1_b, exp_fc2_w, exp_fc2_b,
           mlp_fc1_w, mlp_fc1_b, mlp_fc2_w, mlp_fc2_b):
    f32 = jnp.float32

    ada, logits_pad = pl.pallas_call(
        _router_body,
        out_shape=(
            jax.ShapeDtypeStruct((B, 6 * D), f32),
            jax.ShapeDtypeStruct((B, LANES), f32),
        ),
    )(x, c, ada_w, ada_b.reshape(1, 6 * D), router_w)
    ada3 = ada.reshape(B, 1, 6 * D)

    idx16, aux16 = _sc_router()(logits_pad)

    grid_b = pltpu.PrefetchScalarGridSpec(
        num_scalar_prefetch=1,
        grid=(B,),
        in_specs=[
            pl.BlockSpec((1, N, D), lambda b, idx_ref: (b, 0, 0)),
            pl.BlockSpec((1, 1, 6 * D), lambda b, idx_ref: (b, 0, 0)),
            pl.BlockSpec((1, MIX_HID, N), lambda b, idx_ref: (idx_ref[b], 0, 0)),
            pl.BlockSpec((1, 1, MIX_HID), lambda b, idx_ref: (idx_ref[b], 0, 0)),
            pl.BlockSpec((1, N, MIX_HID), lambda b, idx_ref: (idx_ref[b], 0, 0)),
            pl.BlockSpec((1, 1, N), lambda b, idx_ref: (idx_ref[b], 0, 0)),
            pl.BlockSpec((D, D), lambda b, idx_ref: (0, 0)),
            pl.BlockSpec((1, D), lambda b, idx_ref: (0, 0)),
            pl.BlockSpec((HID, D), lambda b, idx_ref: (0, 0)),
            pl.BlockSpec((1, HID), lambda b, idx_ref: (0, 0)),
            pl.BlockSpec((D, HID), lambda b, idx_ref: (0, 0)),
            pl.BlockSpec((1, D), lambda b, idx_ref: (0, 0)),
        ],
        out_specs=pl.BlockSpec((1, N, D), lambda b, idx_ref: (b, 0, 0)),
    )
    x2 = pl.pallas_call(
        _block_body,
        grid_spec=grid_b,
        out_shape=jax.ShapeDtypeStruct((B, N, D), f32),
        compiler_params=pltpu.CompilerParams(vmem_limit_bytes=100 * 1024 * 1024),
    )(idx16, x, ada3, exp_fc1_w, exp_fc1_b.reshape(E, 1, MIX_HID),
      exp_fc2_w, exp_fc2_b.reshape(E, 1, N),
      out_w, out_b.reshape(1, D),
      mlp_fc1_w, mlp_fc1_b.reshape(1, HID), mlp_fc2_w, mlp_fc2_b.reshape(1, D))

    return (x2, aux16[0])

# --- scband reference (transcript-rebuilt; emitter-appended) ---
"""Pipeline reference for scband-di-t-mo-mblock-10179072491668 (READ-ONLY COPY).

The authoritative reference and input builder live on the scoring server;
editing this copy changes nothing except your own understanding.
"""

import jax, jax.numpy as jnp
import numpy as np

B, N, D = 4, 1024, 768
HR = 1.0
MLP_RATIO = 4.0
HID = int(D * MLP_RATIO)
# top_k = int(3*D^2 / (2*HR*N^2 + 10*D)) -> int(1769472/2104832)=0 -> max(1)=1
K = 1
E = 10 * K
MIX_HID = int(N * HR)


def _gelu(x):
    return jax.nn.gelu(x, approximate=True)


def setup_inputs(seed: int = 0) -> dict:
    key = jax.random.key(seed)
    ks = jax.random.split(key, 16)
    s = 0.02
    return {
        "x": jax.random.normal(ks[0], (B, N, D), dtype=jnp.float32),
        "c": jax.random.normal(ks[1], (B, D), dtype=jnp.float32),
        "ada_w": jax.random.normal(ks[2], (6 * D, D), dtype=jnp.float32) * s,
        "ada_b": jnp.zeros((6 * D,), dtype=jnp.float32),
        "router_w": jax.random.normal(ks[3], (E, D), dtype=jnp.float32) * s,
        "out_w": jax.random.normal(ks[4], (D, D), dtype=jnp.float32) * s,
        "out_b": jnp.zeros((D,), dtype=jnp.float32),
        "exp_fc1_w": jax.random.normal(ks[5], (E, MIX_HID, N), dtype=jnp.float32) * s,
        "exp_fc1_b": jnp.zeros((E, MIX_HID), dtype=jnp.float32),
        "exp_fc2_w": jax.random.normal(ks[6], (E, N, MIX_HID), dtype=jnp.float32) * s,
        "exp_fc2_b": jnp.zeros((E, N), dtype=jnp.float32),
        "mlp_fc1_w": jax.random.normal(ks[7], (HID, D), dtype=jnp.float32) * s,
        "mlp_fc1_b": jnp.zeros((HID,), dtype=jnp.float32),
        "mlp_fc2_w": jax.random.normal(ks[8], (D, HID), dtype=jnp.float32) * s,
        "mlp_fc2_b": jnp.zeros((D,), dtype=jnp.float32),
    }


def _token_mixer(x, w1, b1, w2, b2):
    # x: (B, N, D). LayerNorm over token dim (torch default eps=1e-5, no affine)
    xt = jnp.transpose(x, (0, 2, 1))  # (B, D, N)
    mu = jnp.mean(xt, axis=-1, keepdims=True)
    var = jnp.mean((xt - mu) ** 2, axis=-1, keepdims=True)
    xn = (xt - mu) / jnp.sqrt(var + 1e-5)
    h = _gelu(xn @ w1.T + b1)
    out = h @ w2.T + b2  # (B, D, N)
    return jnp.transpose(out, (0, 2, 1))


def _forward(x, c, ada_w, ada_b, router_w, out_w, out_b,
             exp_fc1_w, exp_fc1_b, exp_fc2_w, exp_fc2_b,
             mlp_fc1_w, mlp_fc1_b, mlp_fc2_w, mlp_fc2_b):
    ada = jax.nn.silu(c) @ ada_w.T + ada_b  # (B, 6D)
    shift_mom, scale_mom, gate_mom, shift_mlp, scale_mlp, gate_mlp = jnp.split(ada, 6, axis=1)
    mx = x * (1.0 + scale_mom[:, None, :]) + shift_mom[:, None, :]

    # MixtureOfMixers
    router_input = jnp.mean(mx, axis=1)  # (B, D)
    router_logits = router_input @ router_w.T  # (B, E)
    router_probs = jax.nn.softmax(router_logits, axis=-1)
    tkw, tki = jax.lax.top_k(router_probs, K)
    tkw = tkw / jnp.sum(tkw, axis=-1, keepdims=True)

    output = jnp.zeros_like(mx)
    for e in range(E):
        mask = (tki == e).astype(mx.dtype)  # (B, K)
        w = jnp.sum(tkw * mask, axis=-1)  # (B,)
        eo = _token_mixer(mx, exp_fc1_w[e], exp_fc1_b[e], exp_fc2_w[e], exp_fc2_b[e])
        output = output + w[:, None, None] * eo
    output = output @ out_w.T + out_b

    top1 = tki[:, 0]
    expert_mask = jax.nn.one_hot(top1, E, dtype=router_probs.dtype)
    aux_loss = E * jnp.sum(jnp.mean(router_probs, axis=0) * jnp.mean(expert_mask, axis=0))

    x1 = x + gate_mom[:, None, :] * output

    mu = jnp.mean(x1, axis=-1, keepdims=True)
    var = jnp.mean((x1 - mu) ** 2, axis=-1, keepdims=True)
    xn2 = (x1 - mu) / jnp.sqrt(var + 1e-6)
    mod = xn2 * (1.0 + scale_mlp[:, None, :]) + shift_mlp[:, None, :]
    mlp_out = _gelu(mod @ mlp_fc1_w.T + mlp_fc1_b) @ mlp_fc2_w.T + mlp_fc2_b
    x2 = x1 + gate_mlp[:, None, :] * mlp_out
    return (x2, aux_loss)


def reference(x, c, ada_w, ada_b, router_w, out_w, out_b,
              exp_fc1_w, exp_fc1_b, exp_fc2_w, exp_fc2_b,
              mlp_fc1_w, mlp_fc1_b, mlp_fc2_w, mlp_fc2_b):
    return _forward(
        x, c, ada_w, ada_b, router_w,
        out_w, out_b, exp_fc1_w, exp_fc1_b,
        exp_fc2_w, exp_fc2_b, mlp_fc1_w, mlp_fc1_b,
        mlp_fc2_w, mlp_fc2_b)

if __name__ == "__main__":
    import jax
    _d = setup_inputs()
    print(jax.jit(kernel)(*tuple(_d.values())))

</pallas_src>

<mosaic_0001>
#map = affine_map<(d0, d1) -> (0, 0)>
#map1 = affine_map<(d0, d1) -> (0)>
module attributes {stable_mosaic.version = 14 : i64} {
  func.func @_sc_router_body(%arg0: i32, %arg1: i32, %arg2: memref<4x16xf32, #tpu.memory_space<hbm>>, %arg3: memref<16xi32, #tpu.memory_space<hbm>>, %arg4: memref<16xf32, #tpu.memory_space<hbm>>, %arg5: memref<4x16xf32, #tpu.memory_space<vmem>>, %arg6: memref<16xi32, #tpu.memory_space<vmem>>, %arg7: memref<16xf32, #tpu.memory_space<vmem>>) attributes {dimension_semantics = [#tpu.dimension_semantics<core_parallel>, #tpu.dimension_semantics<subcore_parallel>], iteration_bounds = array<i64: 2, 16>, scalar_prefetch = 0 : i64, scratch_operands = 3 : i64, tpu.core_type = #tpu.core_type<sc_vector_subcore>, window_params = [{transform_indices = #map}, {transform_indices = #map1}, {transform_indices = #map1}]} {
    %mul3A = arith.constant 2 : i32
    %mul3A_0 = arith.muli %arg1, %mul3A : i32
    %add3A = arith.addi %mul3A_0, %arg0 : i32
    %eq3A = arith.constant 0 : i32
    %eq3A_1 = arith.cmpi eq, %add3A, %eq3A : i32
    %convert_element_type3A = arith.extui %eq3A_1 : i1 to i32
    %cond3A = arith.constant 0 : i32
    %cond3A_2 = arith.cmpi ne, %convert_element_type3A, %cond3A : i32
    scf.if %cond3A_2 {
      "tpu.region"() ({
        %run_scoped3A = tpu.sem_alloc : memref<!tpu.dma_semaphore, #tpu.memory_space<semaphore_mem>>
        tpu.enqueue_dma source(%arg2 : memref<4x16xf32, #tpu.memory_space<hbm>>) target(%arg5 : memref<4x16xf32, #tpu.memory_space<vmem>>) target_semaphore(%run_scoped3A : memref<!tpu.dma_semaphore, #tpu.memory_space<semaphore_mem>>)
        tpu.wait_dma2 semaphore(%run_scoped3A : memref<!tpu.dma_semaphore, #tpu.memory_space<semaphore_mem>>) src(%arg2 : memref<4x16xf32, #tpu.memory_space<hbm>>) dst(%arg5 : memref<4x16xf32, #tpu.memory_space<vmem>>)
        tpu.yield
      }) : () -> ()
      %iota3A = tpu.iota {dimensions = array<i32: 0>} : vector<16xi32>
      %broadcast_in_dim3A = arith.constant 0.000000e+00 : f32
      %broadcast_in_dim3A_3 = vector.broadcast %broadcast_in_dim3A : f32 to vector<16xf32>
      %broadcast_in_dim3A_4 = arith.constant 0.000000e+00 : f32
      %broadcast_in_dim3A_5 = vector.broadcast %broadcast_in_dim3A_4 : f32 to vector<16xf32>
      %broadcast_in_dim3A_6 = arith.constant 0 : i32
      %broadcast_in_dim3A_7 = vector.broadcast %broadcast_in_dim3A_6 : i32 to vector<16xi32>
      %get3A = arith.constant 0 : i32
      %get3A_8 = arith.index_cast %get3A : i32 to index
      %get3A_9 = arith.constant 0 : index
      %get3A_10 = tpu.vector_load %arg5[%get3A_8, %get3A_9] {strides = array<i32>} : memref<4x16xf32, #tpu.memory_space<vmem>>, vector<1x16xf32>,
      %get3A_11 = vector.shape_cast %get3A_10 : vector<1x16xf32> to vector<16xf32>
      %xor3A = arith.constant 1 : i32
      %xor3A_12 = vector.broadcast %xor3A : i32 to vector<16xi32>
      %xor3A_13 = arith.xori %iota3A, %xor3A_12 : vector<16xi32>
      %broadcast_in_dim3A_14 = vector.shape_cast %xor3A_13 : vector<16xi32> to vector<16x1xi32>
      %gather3A = vector.shape_cast %broadcast_in_dim3A_14 : vector<16x1xi32> to vector<16xi32>
      %gather3A_15 = tpu.dynamic_gather %get3A_11[%gather3A] in [0] : vector<16xf32>, vector<16xi32> -> vector<16xf32>
      %max3A = arith.maximumf %get3A_11, %gather3A_15 : vector<16xf32>
      %xor3A_16 = arith.constant 2 : i32
      %xor3A_17 = vector.broadcast %xor3A_16 : i32 to vector<16xi32>
      %xor3A_18 = arith.xori %iota3A, %xor3A_17 : vector<16xi32>
      %broadcast_in_dim3A_19 = vector.shape_cast %xor3A_18 : vector<16xi32> to vector<16x1xi32>
      %gather3A_20 = vector.shape_cast %broadcast_in_dim3A_19 : vector<16x1xi32> to vector<16xi32>
      %gather3A_21 = tpu.dynamic_gather %max3A[%gather3A_20] in [0] : vector<16xf32>, vector<16xi32> -> vector<16xf32>
      %max3A_22 = arith.maximumf %max3A, %gather3A_21 : vector<16xf32>
      %xor3A_23 = arith.constant 4 : i32
      %xor3A_24 = vector.broadcast %xor3A_23 : i32 to vector<16xi32>
      %xor3A_25 = arith.xori %iota3A, %xor3A_24 : vector<16xi32>
      %broadcast_in_dim3A_26 = vector.shape_cast %xor3A_25 : vector<16xi32> to vector<16x1xi32>
      %gather3A_27 = vector.shape_cast %broadcast_in_dim3A_26 : vector<16x1xi32> to vector<16xi32>
      %gather3A_28 = tpu.dynamic_gather %max3A_22[%gather3A_27] in [0] : vector<16xf32>, vector<16xi32> -> vector<16xf32>
      %max3A_29 = arith.maximumf %max3A_22, %gather3A_28 : vector<16xf32>
      %xor3A_30 = arith.constant 8 : i32
      %xor3A_31 = vector.broadcast %xor3A_30 : i32 to vector<16xi32>
      %xor3A_32 = arith.xori %iota3A, %xor3A_31 : vector<16xi32>
      %broadcast_in_dim3A_33 = vector.shape_cast %xor3A_32 : vector<16xi32> to vector<16x1xi32>
      %gather3A_34 = vector.shape_cast %broadcast_in_dim3A_33 : vector<16x1xi32> to vector<16xi32>
      %gather3A_35 = tpu.dynamic_gather %max3A_29[%gather3A_34] in [0] : vector<16xf32>, vector<16xi32> -> vector<16xf32>
      %max3A_36 = arith.maximumf %max3A_29, %gather3A_35 : vector<16xf32>
      %sub3A = arith.subf %get3A_11, %max3A_36 : vector<16xf32>
      %exp3A = math.exp %sub3A : vector<16xf32>
      %xor3A_37 = arith.constant 1 : i32
      %xor3A_38 = vector.broadcast %xor3A_37 : i32 to vector<16xi32>
      %xor3A_39 = arith.xori %iota3A, %xor3A_38 : vector<16xi32>
      %broadcast_in_dim3A_40 = vector.shape_cast %xor3A_39 : vector<16xi32> to vector<16x1xi32>
      %gather3A_41 = vector.shape_cast %broadcast_in_dim3A_40 : vector<16x1xi32> to vector<16xi32>
      %gather3A_42 = tpu.dynamic_gather %exp3A[%gather3A_41] in [0] : vector<16xf32>, vector<16xi32> -> vector<16xf32>
      %add3A_43 = arith.addf %exp3A, %gather3A_42 : vector<16xf32>
      %xor3A_44 = arith.constant 2 : i32
      %xor3A_45 = vector.broadcast %xor3A_44 : i32 to vector<16xi32>
      %xor3A_46 = arith.xori %iota3A, %xor3A_45 : vector<16xi32>
      %broadcast_in_dim3A_47 = vector.shape_cast %xor3A_46 : vector<16xi32> to vector<16x1xi32>
      %gather3A_48 = vector.shape_cast %broadcast_in_dim3A_47 : vector<16x1xi32> to vector<16xi32>
      %gather3A_49 = tpu.dynamic_gather %add3A_43[%gather3A_48] in [0] : vector<16xf32>, vector<16xi32> -> vector<16xf32>
      %add3A_50 = arith.addf %add3A_43, %gather3A_49 : vector<16xf32>
      %xor3A_51 = arith.constant 4 : i32
      %xor3A_52 = vector.broadcast %xor3A_51 : i32 to vector<16xi32>
      %xor3A_53 = arith.xori %iota3A, %xor3A_52 : vector<16xi32>
      %broadcast_in_dim3A_54 = vector.shape_cast %xor3A_53 : vector<16xi32> to vector<16x1xi32>
      %gather3A_55 = vector.shape_cast %broadcast_in_dim3A_54 : vector<16x1xi32> to vector<16xi32>
      %gather3A_56 = tpu.dynamic_gather %add3A_50[%gather3A_55] in [0] : vector<16xf32>, vector<16xi32> -> vector<16xf32>
      %add3A_57 = arith.addf %add3A_50, %gather3A_56 : vector<16xf32>
      %xor3A_58 = arith.constant 8 : i32
      %xor3A_59 = vector.broadcast %xor3A_58 : i32 to vector<16xi32>
      %xor3A_60 = arith.xori %iota3A, %xor3A_59 : vector<16xi32>
      %broadcast_in_dim3A_61 = vector.shape_cast %xor3A_60 : vector<16xi32> to vector<16x1xi32>
      %gather3A_62 = vector.shape_cast %broadcast_in_dim3A_61 : vector<16x1xi32> to vector<16xi32>
      %gather3A_63 = tpu.dynamic_gather %add3A_57[%gather3A_62] in [0] : vector<16xf32>, vector<16xi32> -> vector<16xf32>
      %add3A_64 = arith.addf %add3A_57, %gather3A_63 : vector<16xf32>
      %div3A = arith.divf %exp3A, %add3A_64 : vector<16xf32>
      %add3A_65 = arith.addf %broadcast_in_dim3A_3, %div3A : vector<16xf32>
      %eq3A_66 = arith.cmpf oeq, %get3A_11, %max3A_36 : vector<16xf32>
      %jit3A = arith.constant 16 : i32
      %broadcast_in_dim3A_67 = vector.broadcast %jit3A : i32 to vector<16xi32>
      %select_n3A = arith.select %eq3A_66, %iota3A, %broadcast_in_dim3A_67 : vector<16xi1>, vector<16xi32>
      %xor3A_68 = arith.constant 1 : i32
      %xor3A_69 = vector.broadcast %xor3A_68 : i32 to vector<16xi32>
      %xor3A_70 = arith.xori %iota3A, %xor3A_69 : vector<16xi32>
      %broadcast_in_dim3A_71 = vector.shape_cast %xor3A_70 : vector<16xi32> to vector<16x1xi32>
      %gather3A_72 = vector.shape_cast %broadcast_in_dim3A_71 : vector<16x1xi32> to vector<16xi32>
      %gather3A_73 = tpu.dynamic_gather %select_n3A[%gather3A_72] in [0] : vector<16xi32>, vector<16xi32> -> vector<16xi32>
      %min3A = arith.minsi %select_n3A, %gather3A_73 : vector<16xi32>
      %xor3A_74 = arith.constant 2 : i32
      %xor3A_75 = vector.broadcast %xor3A_74 : i32 to vector<16xi32>
      %xor3A_76 = arith.xori %iota3A, %xor3A_75 : vector<16xi32>
      %broadcast_in_dim3A_77 = vector.shape_cast %xor3A_76 : vector<16xi32> to vector<16x1xi32>
      %gather3A_78 = vector.shape_cast %broadcast_in_dim3A_77 : vector<16x1xi32> to vector<16xi32>
      %gather3A_79 = tpu.dynamic_gather %min3A[%gather3A_78] in [0] : vector<16xi32>, vector<16xi32> -> vector<16xi32>
      %min3A_80 = arith.minsi %min3A, %gather3A_79 : vector<16xi32>
      %xor3A_81 = arith.constant 4 : i32
      %xor3A_82 = vector.broadcast %xor3A_81 : i32 to vector<16xi32>
      %xor3A_83 = arith.xori %iota3A, %xor3A_82 : vector<16xi32>
      %broadcast_in_dim3A_84 = vector.shape_cast %xor3A_83 : vector<16xi32> to vector<16x1xi32>
      %gather3A_85 = vector.shape_cast %broadcast_in_dim3A_84 : vector<16x1xi32> to vector<16xi32>
      %gather3A_86 = tpu.dynamic_gather %min3A_80[%gather3A_85] in [0] : vector<16xi32>, vector<16xi32> -> vector<16xi32>
      %min3A_87 = arith.minsi %min3A_80, %gather3A_86 : vector<16xi32>
      %xor3A_88 = arith.constant 8 : i32
      %xor3A_89 = vector.broadcast %xor3A_88 : i32 to vector<16xi32>
      %xor3A_90 = arith.xori %iota3A, %xor3A_89 : vector<16xi32>
      %broadcast_in_dim3A_91 = vector.shape_cast %xor3A_90 : vector<16xi32> to vector<16x1xi32>
      %gather3A_92 = vector.shape_cast %broadcast_in_dim3A_91 : vector<16x1xi32> to vector<16xi32>
      %gather3A_93 = tpu.dynamic_gather %min3A_87[%gather3A_92] in [0] : vector<16xi32>, vector<16xi32> -> vector<16xi32>
      %min3A_94 = arith.minsi %min3A_87, %gather3A_93 : vector<16xi32>
      %eq3A_95 = arith.cmpi eq, %iota3A, %min3A_94 : vector<16xi32>
      %jit3A_96 = arith.constant 1.000000e+00 : f32
      %jit3A_97 = arith.constant 0.000000e+00 : f32
      %broadcast_in_dim3A_98 = vector.broadcast %jit3A_96 : f32 to vector<16xf32>
      %broadcast_in_dim3A_99 = vector.broadcast %jit3A_97 : f32 to vector<16xf32>
      %select_n3A_100 = arith.select %eq3A_95, %broadcast_in_dim3A_98, %broadcast_in_dim3A_99 : vector<16xi1>, vector<16xf32>
      %add3A_101 = arith.addf %broadcast_in_dim3A_5, %select_n3A_100 : vector<16xf32>
      %eq3A_102 = arith.constant 0 : i32
      %eq3A_103 = vector.broadcast %eq3A_102 : i32 to vector<16xi32>
      %eq3A_104 = arith.cmpi eq, %iota3A, %eq3A_103 : vector<16xi32>
      %select_n3A_105 = arith.select %eq3A_104, %min3A_94, %broadcast_in_dim3A_7 : vector<16xi1>, vector<16xi32>
      %get3A_106 = arith.constant 1 : i32
      %get3A_107 = arith.index_cast %get3A_106 : i32 to index
      %get3A_108 = arith.constant 0 : index
      %get3A_109 = tpu.vector_load %arg5[%get3A_107, %get3A_108] {strides = array<i32>} : memref<4x16xf32, #tpu.memory_space<vmem>>, vector<1x16xf32>,
      %get3A_110 = vector.shape_cast %get3A_109 : vector<1x16xf32> to vector<16xf32>
      %xor3A_111 = arith.constant 1 : i32
      %xor3A_112 = vector.broadcast %xor3A_111 : i32 to vector<16xi32>
      %xor3A_113 = arith.xori %iota3A, %xor3A_112 : vector<16xi32>
      %broadcast_in_dim3A_114 = vector.shape_cast %xor3A_113 : vector<16xi32> to vector<16x1xi32>
      %gather3A_115 = vector.shape_cast %broadcast_in_dim3A_114 : vector<16x1xi32> to vector<16xi32>
      %gather3A_116 = tpu.dynamic_gather %get3A_110[%gather3A_115] in [0] : vector<16xf32>, vector<16xi32> -> vector<16xf32>
      %max3A_117 = arith.maximumf %get3A_110, %gather3A_116 : vector<16xf32>
      %xor3A_118 = arith.constant 2 : i32
      %xor3A_119 = vector.broadcast %xor3A_118 : i32 to vector<16xi32>
      %xor3A_120 = arith.xori %iota3A, %xor3A_119 : vector<16xi32>
      %broadcast_in_dim3A_121 = vector.shape_cast %xor3A_120 : vector<16xi32> to vector<16x1xi32>
      %gather3A_122 = vector.shape_cast %broadcast_in_dim3A_121 : vector<16x1xi32> to vector<16xi32>
      %gather3A_123 = tpu.dynamic_gather %max3A_117[%gather3A_122] in [0] : vector<16xf32>, vector<16xi32> -> vector<16xf32>
      %max3A_124 = arith.maximumf %max3A_117, %gather3A_123 : vector<16xf32>
      %xor3A_125 = arith.constant 4 : i32
      %xor3A_126 = vector.broadcast %xor3A_125 : i32 to vector<16xi32>
      %xor3A_127 = arith.xori %iota3A, %xor3A_126 : vector<16xi32>
      %broadcast_in_dim3A_128 = vector.shape_cast %xor3A_127 : vector<16xi32> to vector<16x1xi32>
      %gather3A_129 = vector.shape_cast %broadcast_in_dim3A_128 : vector<16x1xi32> to vector<16xi32>
      %gather3A_130 = tpu.dynamic_gather %max3A_124[%gather3A_129] in [0] : vector<16xf32>, vector<16xi32> -> vector<16xf32>
      %max3A_131 = arith.maximumf %max3A_124, %gather3A_130 : vector<16xf32>
      %xor3A_132 = arith.constant 8 : i32
      %xor3A_133 = vector.broadcast %xor3A_132 : i32 to vector<16xi32>
      %xor3A_134 = arith.xori %iota3A, %xor3A_133 : vector<16xi32>
      %broadcast_in_dim3A_135 = vector.shape_cast %xor3A_134 : vector<16xi32> to vector<16x1xi32>
      %gather3A_136 = vector.shape_cast %broadcast_in_dim3A_135 : vector<16x1xi32> to vector<16xi32>
      %gather3A_137 = tpu.dynamic_gather %max3A_131[%gather3A_136] in [0] : vector<16xf32>, vector<16xi32> -> vector<16xf32>
      %max3A_138 = arith.maximumf %max3A_131, %gather3A_137 : vector<16xf32>
      %sub3A_139 = arith.subf %get3A_110, %max3A_138 : vector<16xf32>
      %exp3A_140 = math.exp %sub3A_139 : vector<16xf32>
      %xor3A_141 = arith.constant 1 : i32
      %xor3A_142 = vector.broadcast %xor3A_141 : i32 to vector<16xi32>
      %xor3A_143 = arith.xori %iota3A, %xor3A_142 : vector<16xi32>
      %broadcast_in_dim3A_144 = vector.shape_cast %xor3A_143 : vector<16xi32> to vector<16x1xi32>
      %gather3A_145 = vector.shape_cast %broadcast_in_dim3A_144 : vector<16x1xi32> to vector<16xi32>
      %gather3A_146 = tpu.dynamic_gather %exp3A_140[%gather3A_145] in [0] : vector<16xf32>, vector<16xi32> -> vector<16xf32>
      %add3A_147 = arith.addf %exp3A_140, %gather3A_146 : vector<16xf32>
      %xor3A_148 = arith.constant 2 : i32
      %xor3A_149 = vector.broadcast %xor3A_148 : i32 to vector<16xi32>
      %xor3A_150 = arith.xori %iota3A, %xor3A_149 : vector<16xi32>
      %broadcast_in_dim3A_151 = vector.shape_cast %xor3A_150 : vector<16xi32> to vector<16x1xi32>
      %gather3A_152 = vector.shape_cast %broadcast_in_dim3A_151 : vector<16x1xi32> to vector<16xi32>
      %gather3A_153 = tpu.dynamic_gather %add3A_147[%gather3A_152] in [0] : vector<16xf32>, vector<16xi32> -> vector<16xf32>
      %add3A_154 = arith.addf %add3A_147, %gather3A_153 : vector<16xf32>
      %xor3A_155 = arith.constant 4 : i32
      %xor3A_156 = vector.broadcast %xor3A_155 : i32 to vector<16xi32>
      %xor3A_157 = arith.xori %iota3A, %xor3A_156 : vector<16xi32>
      %broadcast_in_dim3A_158 = vector.shape_cast %xor3A_157 : vector<16xi32> to vector<16x1xi32>
      %gather3A_159 = vector.shape_cast %broadcast_in_dim3A_158 : vector<16x1xi32> to vector<16xi32>
      %gather3A_160 = tpu.dynamic_gather %add3A_154[%gather3A_159] in [0] : vector<16xf32>, vector<16xi32> -> vector<16xf32>
      %add3A_161 = arith.addf %add3A_154, %gather3A_160 : vector<16xf32>
      %xor3A_162 = arith.constant 8 : i32
      %xor3A_163 = vector.broadcast %xor3A_162 : i32 to vector<16xi32>
      %xor3A_164 = arith.xori %iota3A, %xor3A_163 : vector<16xi32>
      %broadcast_in_dim3A_165 = vector.shape_cast %xor3A_164 : vector<16xi32> to vector<16x1xi32>
      %gather3A_166 = vector.shape_cast %broadcast_in_dim3A_165 : vector<16x1xi32> to vector<16xi32>
      %gather3A_167 = tpu.dynamic_gather %add3A_161[%gather3A_166] in [0] : vector<16xf32>, vector<16xi32> -> vector<16xf32>
      %add3A_168 = arith.addf %add3A_161, %gather3A_167 : vector<16xf32>
      %div3A_169 = arith.divf %exp3A_140, %add3A_168 : vector<16xf32>
      %add3A_170 = arith.addf %add3A_65, %div3A_169 : vector<16xf32>
      %eq3A_171 = arith.cmpf oeq, %get3A_110, %max3A_138 : vector<16xf32>
      %jit3A_172 = arith.constant 16 : i32
      %broadcast_in_dim3A_173 = vector.broadcast %jit3A_172 : i32 to vector<16xi32>
      %select_n3A_174 = arith.select %eq3A_171, %iota3A, %broadcast_in_dim3A_173 : vector<16xi1>, vector<16xi32>
      %xor3A_175 = arith.constant 1 : i32
      %xor3A_176 = vector.broadcast %xor3A_175 : i32 to vector<16xi32>
      %xor3A_177 = arith.xori %iota3A, %xor3A_176 : vector<16xi32>
      %broadcast_in_dim3A_178 = vector.shape_cast %xor3A_177 : vector<16xi32> to vector<16x1xi32>
      %gather3A_179 = vector.shape_cast %broadcast_in_dim3A_178 : vector<16x1xi32> to vector<16xi32>
      %gather3A_180 = tpu.dynamic_gather %select_n3A_174[%gather3A_179] in [0] : vector<16xi32>, vector<16xi32> -> vector<16xi32>
      %min3A_181 = arith.minsi %select_n3A_174, %gather3A_180 : vector<16xi32>
      %xor3A_182 = arith.constant 2 : i32
      %xor3A_183 = vector.broadcast %xor3A_182 : i32 to vector<16xi32>
      %xor3A_184 = arith.xori %iota3A, %xor3A_183 : vector<16xi32>
      %broadcast_in_dim3A_185 = vector.shape_cast %xor3A_184 : vector<16xi32> to vector<16x1xi32>
      %gather3A_186 = vector.shape_cast %broadcast_in_dim3A_185 : vector<16x1xi32> to vector<16xi32>
      %gather3A_187 = tpu.dynamic_gather %min3A_181[%gather3A_186] in [0] : vector<16xi32>, vector<16xi32> -> vector<16xi32>
      %min3A_188 = arith.minsi %min3A_181, %gather3A_187 : vector<16xi32>
      %xor3A_189 = arith.constant 4 : i32
      %xor3A_190 = vector.broadcast %xor3A_189 : i32 to vector<16xi32>
      %xor3A_191 = arith.xori %iota3A, %xor3A_190 : vector<16xi32>
      %broadcast_in_dim3A_192 = vector.shape_cast %xor3A_191 : vector<16xi32> to vector<16x1xi32>
      %gather3A_193 = vector.shape_cast %broadcast_in_dim3A_192 : vector<16x1xi32> to vector<16xi32>
      %gather3A_194 = tpu.dynamic_gather %min3A_188[%gather3A_193] in [0] : vector<16xi32>, vector<16xi32> -> vector<16xi32>
      %min3A_195 = arith.minsi %min3A_188, %gather3A_194 : vector<16xi32>
      %xor3A_196 = arith.constant 8 : i32
      %xor3A_197 = vector.broadcast %xor3A_196 : i32 to vector<16xi32>
      %xor3A_198 = arith.xori %iota3A, %xor3A_197 : vector<16xi32>
      %broadcast_in_dim3A_199 = vector.shape_cast %xor3A_198 : vector<16xi32> to vector<16x1xi32>
      %gather3A_200 = vector.shape_cast %broadcast_in_dim3A_199 : vector<16x1xi32> to vector<16xi32>
      %gather3A_201 = tpu.dynamic_gather %min3A_195[%gather3A_200] in [0] : vector<16xi32>, vector<16xi32> -> vector<16xi32>
      %min3A_202 = arith.minsi %min3A_195, %gather3A_201 : vector<16xi32>
      %eq3A_203 = arith.cmpi eq, %iota3A, %min3A_202 : vector<16xi32>
      %jit3A_204 = arith.constant 1.000000e+00 : f32
      %jit3A_205 = arith.constant 0.000000e+00 : f32
      %broadcast_in_dim3A_206 = vector.broadcast %jit3A_204 : f32 to vector<16xf32>
      %broadcast_in_dim3A_207 = vector.broadcast %jit3A_205 : f32 to vector<16xf32>
      %select_n3A_208 = arith.select %eq3A_203, %broadcast_in_dim3A_206, %broadcast_in_dim3A_207 : vector<16xi1>, vector<16xf32>
      %add3A_209 = arith.addf %add3A_101, %select_n3A_208 : vector<16xf32>
      %eq3A_210 = arith.constant 1 : i32
      %eq3A_211 = vector.broadcast %eq3A_210 : i32 to vector<16xi32>
      %eq3A_212 = arith.cmpi eq, %iota3A, %eq3A_211 : vector<16xi32>
      %select_n3A_213 = arith.select %eq3A_212, %min3A_202, %select_n3A_105 : vector<16xi1>, vector<16xi32>
      %get3A_214 = arith.constant 2 : i32
      %get3A_215 = arith.index_cast %get3A_214 : i32 to index
      %get3A_216 = arith.constant 0 : index
      %get3A_217 = tpu.vector_load %arg5[%get3A_215, %get3A_216] {strides = array<i32>} : memref<4x16xf32, #tpu.memory_space<vmem>>, vector<1x16xf32>,
      %get3A_218 = vector.shape_cast %get3A_217 : vector<1x16xf32> to vector<16xf32>
      %xor3A_219 = arith.constant 1 : i32
      %xor3A_220 = vector.broadcast %xor3A_219 : i32 to vector<16xi32>
      %xor3A_221 = arith.xori %iota3A, %xor3A_220 : vector<16xi32>
      %broadcast_in_dim3A_222 = vector.shape_cast %xor3A_221 : vector<16xi32> to vector<16x1xi32>
      %gather3A_223 = vector.shape_cast %broadcast_in_dim3A_222 : vector<16x1xi32> to vector<16xi32>
      %gather3A_224 = tpu.dynamic_gather %get3A_218[%gather3A_223] in [0] : vector<16xf32>, vector<16xi32> -> vector<16xf32>
      %max3A_225 = arith.maximumf %get3A_218, %gather3A_224 : vector<16xf32>
      %xor3A_226 = arith.constant 2 : i32
      %xor3A_227 = vector.broadcast %xor3A_226 : i32 to vector<16xi32>
      %xor3A_228 = arith.xori %iota3A, %xor3A_227 : vector<16xi32>
      %broadcast_in_dim3A_229 = vector.shape_cast %xor3A_228 : vector<16xi32> to vector<16x1xi32>
      %gather3A_230 = vector.shape_cast %broadcast_in_dim3A_229 : vector<16x1xi32> to vector<16xi32>
      %gather3A_231 = tpu.dynamic_gather %max3A_225[%gather3A_230] in [0] : vector<16xf32>, vector<16xi32> -> vector<16xf32>
      %max3A_232 = arith.maximumf %max3A_225, %gather3A_231 : vector<16xf32>
      %xor3A_233 = arith.constant 4 : i32
      %xor3A_234 = vector.broadcast %xor3A_233 : i32 to vector<16xi32>
      %xor3A_235 = arith.xori %iota3A, %xor3A_234 : vector<16xi32>
      %broadcast_in_dim3A_236 = vector.shape_cast %xor3A_235 : vector<16xi32> to vector<16x1xi32>
      %gather3A_237 = vector.shape_cast %broadcast_in_dim3A_236 : vector<16x1xi32> to vector<16xi32>
      %gather3A_238 = tpu.dynamic_gather %max3A_232[%gather3A_237] in [0] : vector<16xf32>, vector<16xi32> -> vector<16xf32>
      %max3A_239 = arith.maximumf %max3A_232, %gather3A_238 : vector<16xf32>
      %xor3A_240 = arith.constant 8 : i32
      %xor3A_241 = vector.broadcast %xor3A_240 : i32 to vector<16xi32>
      %xor3A_242 = arith.xori %iota3A, %xor3A_241 : vector<16xi32>
      %broadcast_in_dim3A_243 = vector.shape_cast %xor3A_242 : vector<16xi32> to vector<16x1xi32>
      %gather3A_244 = vector.shape_cast %broadcast_in_dim3A_243 : vector<16x1xi32> to vector<16xi32>
      %gather3A_245 = tpu.dynamic_gather %max3A_239[%gather3A_244] in [0] : vector<16xf32>, vector<16xi32> -> vector<16xf32>
      %max3A_246 = arith.maximumf %max3A_239, %gather3A_245 : vector<16xf32>
      %sub3A_247 = arith.subf %get3A_218, %max3A_246 : vector<16xf32>
      %exp3A_248 = math.exp %sub3A_247 : vector<16xf32>
      %xor3A_249 = arith.constant 1 : i32
      %xor3A_250 = vector.broadcast %xor3A_249 : i32 to vector<16xi32>
      %xor3A_251 = arith.xori %iota3A, %xor3A_250 : vector<16xi32>
      %broadcast_in_dim3A_252 = vector.shape_cast %xor3A_251 : vector<16xi32> to vector<16x1xi32>
      %gather3A_253 = vector.shape_cast %broadcast_in_dim3A_252 : vector<16x1xi32> to vector<16xi32>
      %gather3A_254 = tpu.dynamic_gather %exp3A_248[%gather3A_253] in [0] : vector<16xf32>, vector<16xi32> -> vector<16xf32>
      %add3A_255 = arith.addf %exp3A_248, %gather3A_254 : vector<16xf32>
      %xor3A_256 = arith.constant 2 : i32
      %xor3A_257 = vector.broadcast %xor3A_256 : i32 to vector<16xi32>
      %xor3A_258 = arith.xori %iota3A, %xor3A_257 : vector<16xi32>
      %broadcast_in_dim3A_259 = vector.shape_cast %xor3A_258 : vector<16xi32> to vector<16x1xi32>
      %gather3A_260 = vector.shape_cast %broadcast_in_dim3A_259 : vector<16x1xi32> to vector<16xi32>
      %gather3A_261 = tpu.dynamic_gather %add3A_255[%gather3A_260] in [0] : vector<16xf32>, vector<16xi32> -> vector<16xf32>
      %add3A_262 = arith.addf %add3A_255, %gather3A_261 : vector<16xf32>
      %xor3A_263 = arith.constant 4 : i32
      %xor3A_264 = vector.broadcast %xor3A_263 : i32 to vector<16xi32>
      %xor3A_265 = arith.xori %iota3A, %xor3A_264 : vector<16xi32>
      %broadcast_in_dim3A_266 = vector.shape_cast %xor3A_265 : vector<16xi32> to vector<16x1xi32>
      %gather3A_267 = vector.shape_cast %broadcast_in_dim3A_266 : vector<16x1xi32> to vector<16xi32>
      %gather3A_268 = tpu.dynamic_gather %add3A_262[%gather3A_267] in [0] : vector<16xf32>, vector<16xi32> -> vector<16xf32>
      %add3A_269 = arith.addf %add3A_262, %gather3A_268 : vector<16xf32>
      %xor3A_270 = arith.constant 8 : i32
      %xor3A_271 = vector.broadcast %xor3A_270 : i32 to vector<16xi32>
      %xor3A_272 = arith.xori %iota3A, %xor3A_271 : vector<16xi32>
      %broadcast_in_dim3A_273 = vector.shape_cast %xor3A_272 : vector<16xi32> to vector<16x1xi32>
      %gather3A_274 = vector.shape_cast %broadcast_in_dim3A_273 : vector<16x1xi32> to vector<16xi32>
      %gather3A_275 = tpu.dynamic_gather %add3A_269[%gather3A_274] in [0] : vector<16xf32>, vector<16xi32> -> vector<16xf32>
      %add3A_276 = arith.addf %add3A_269, %gather3A_275 : vector<16xf32>
      %div3A_277 = arith.divf %exp3A_248, %add3A_276 : vector<16xf32>
      %add3A_278 = arith.addf %add3A_170, %div3A_277 : vector<16xf32>
      %eq3A_279 = arith.cmpf oeq, %get3A_218, %max3A_246 : vector<16xf32>
      %jit3A_280 = arith.constant 16 : i32
      %broadcast_in_dim3A_281 = vector.broadcast %jit3A_280 : i32 to vector<16xi32>
      %select_n3A_282 = arith.select %eq3A_279, %iota3A, %broadcast_in_dim3A_281 : vector<16xi1>, vector<16xi32>
      %xor3A_283 = arith.constant 1 : i32
      %xor3A_284 = vector.broadcast %xor3A_283 : i32 to vector<16xi32>
      %xor3A_285 = arith.xori %iota3A, %xor3A_284 : vector<16xi32>
      %broadcast_in_dim3A_286 = vector.shape_cast %xor3A_285 : vector<16xi32> to vector<16x1xi32>
      %gather3A_287 = vector.shape_cast %broadcast_in_dim3A_286 : vector<16x1xi32> to vector<16xi32>
      %gather3A_288 = tpu.dynamic_gather %select_n3A_282[%gather3A_287] in [0] : vector<16xi32>, vector<16xi32> -> vector<16xi32>
      %min3A_289 = arith.minsi %select_n3A_282, %gather3A_288 : vector<16xi32>
      %xor3A_290 = arith.constant 2 : i32
      %xor3A_291 = vector.broadcast %xor3A_290 : i32 to vector<16xi32>
      %xor3A_292 = arith.xori %iota3A, %xor3A_291 : vector<16xi32>
      %broadcast_in_dim3A_293 = vector.shape_cast %xor3A_292 : vector<16xi32> to vector<16x1xi32>
      %gather3A_294 = vector.shape_cast %broadcast_in_dim3A_293 : vector<16x1xi32> to vector<16xi32>
      %gather3A_295 = tpu.dynamic_gather %min3A_289[%gather3A_294] in [0] : vector<16xi32>, vector<16xi32> -> vector<16xi32>
      %min3A_296 = arith.minsi %min3A_289, %gather3A_295 : vector<16xi32>
      %xor3A_297 = arith.constant 4 : i32
      %xor3A_298 = vector.broadcast %xor3A_297 : i32 to vector<16xi32>
      %xor3A_299 = arith.xori %iota3A, %xor3A_298 : vector<16xi32>
      %broadcast_in_dim3A_300 = vector.shape_cast %xor3A_299 : vector<16xi32> to vector<16x1xi32>
      %gather3A_301 = vector.shape_cast %broadcast_in_dim3A_300 : vector<16x1xi32> to vector<16xi32>
      %gather3A_302 = tpu.dynamic_gather %min3A_296[%gather3A_301] in [0] : vector<16xi32>, vector<16xi32> -> vector<16xi32>
      %min3A_303 = arith.minsi %min3A_296, %gather3A_302 : vector<16xi32>
      %xor3A_304 = arith.constant 8 : i32
      %xor3A_305 = vector.broadcast %xor3A_304 : i32 to vector<16xi32>
      %xor3A_306 = arith.xori %iota3A, %xor3A_305 : vector<16xi32>
      %broadcast_in_dim3A_307 = vector.shape_cast %xor3A_306 : vector<16xi32> to vector<16x1xi32>
      %gather3A_308 = vector.shape_cast %broadcast_in_dim3A_307 : vector<16x1xi32> to vector<16xi32>
      %gather3A_309 = tpu.dynamic_gather %min3A_303[%gather3A_308] in [0] : vector<16xi32>, vector<16xi32> -> vector<16xi32>
      %min3A_310 = arith.minsi %min3A_303, %gather3A_309 : vector<16xi32>
      %eq3A_311 = arith.cmpi eq, %iota3A, %min3A_310 : vector<16xi32>
      %jit3A_312 = arith.constant 1.000000e+00 : f32
      %jit3A_313 = arith.constant 0.000000e+00 : f32
      %broadcast_in_dim3A_314 = vector.broadcast %jit3A_312 : f32 to vector<16xf32>
      %broadcast_in_dim3A_315 = vector.broadcast %jit3A_313 : f32 to vector<16xf32>
      %select_n3A_316 = arith.select %eq3A_311, %broadcast_in_dim3A_314, %broadcast_in_dim3A_315 : vector<16xi1>, vector<16xf32>
      %add3A_317 = arith.addf %add3A_209, %select_n3A_316 : vector<16xf32>
      %eq3A_318 = arith.constant 2 : i32
      %eq3A_319 = vector.broadcast %eq3A_318 : i32 to vector<16xi32>
      %eq3A_320 = arith.cmpi eq, %iota3A, %eq3A_319 : vector<16xi32>
      %select_n3A_321 = arith.select %eq3A_320, %min3A_310, %select_n3A_213 : vector<16xi1>, vector<16xi32>
      %get3A_322 = arith.constant 3 : i32
      %get3A_323 = arith.index_cast %get3A_322 : i32 to index
      %get3A_324 = arith.constant 0 : index
      %get3A_325 = tpu.vector_load %arg5[%get3A_323, %get3A_324] {strides = array<i32>} : memref<4x16xf32, #tpu.memory_space<vmem>>, vector<1x16xf32>,
      %get3A_326 = vector.shape_cast %get3A_325 : vector<1x16xf32> to vector<16xf32>
      %xor3A_327 = arith.constant 1 : i32
      %xor3A_328 = vector.broadcast %xor3A_327 : i32 to vector<16xi32>
      %xor3A_329 = arith.xori %iota3A, %xor3A_328 : vector<16xi32>
      %broadcast_in_dim3A_330 = vector.shape_cast %xor3A_329 : vector<16xi32> to vector<16x1xi32>
      %gather3A_331 = vector.shape_cast %broadcast_in_dim3A_330 : vector<16x1xi32> to vector<16xi32>
      %gather3A_332 = tpu.dynamic_gather %get3A_326[%gather3A_331] in [0] : vector<16xf32>, vector<16xi32> -> vector<16xf32>
      %max3A_333 = arith.maximumf %get3A_326, %gather3A_332 : vector<16xf32>
      %xor3A_334 = arith.constant 2 : i32
      %xor3A_335 = vector.broadcast %xor3A_334 : i32 to vector<16xi32>
      %xor3A_336 = arith.xori %iota3A, %xor3A_335 : vector<16xi32>
      %broadcast_in_dim3A_337 = vector.shape_cast %xor3A_336 : vector<16xi32> to vector<16x1xi32>
      %gather3A_338 = vector.shape_cast %broadcast_in_dim3A_337 : vector<16x1xi32> to vector<16xi32>
      %gather3A_339 = tpu.dynamic_gather %max3A_333[%gather3A_338] in [0] : vector<16xf32>, vector<16xi32> -> vector<16xf32>
      %max3A_340 = arith.maximumf %max3A_333, %gather3A_339 : vector<16xf32>
      %xor3A_341 = arith.constant 4 : i32
      %xor3A_342 = vector.broadcast %xor3A_341 : i32 to vector<16xi32>
      %xor3A_343 = arith.xori %iota3A, %xor3A_342 : vector<16xi32>
      %broadcast_in_dim3A_344 = vector.shape_cast %xor3A_343 : vector<16xi32> to vector<16x1xi32>
      %gather3A_345 = vector.shape_cast %broadcast_in_dim3A_344 : vector<16x1xi32> to vector<16xi32>
      %gather3A_346 = tpu.dynamic_gather %max3A_340[%gather3A_345] in [0] : vector<16xf32>, vector<16xi32> -> vector<16xf32>
      %max3A_347 = arith.maximumf %max3A_340, %gather3A_346 : vector<16xf32>
      %xor3A_348 = arith.constant 8 : i32
      %xor3A_349 = vector.broadcast %xor3A_348 : i32 to vector<16xi32>
      %xor3A_350 = arith.xori %iota3A, %xor3A_349 : vector<16xi32>
      %broadcast_in_dim3A_351 = vector.shape_cast %xor3A_350 : vector<16xi32> to vector<16x1xi32>
      %gather3A_352 = vector.shape_cast %broadcast_in_dim3A_351 : vector<16x1xi32> to vector<16xi32>
      %gather3A_353 = tpu.dynamic_gather %max3A_347[%gather3A_352] in [0] : vector<16xf32>, vector<16xi32> -> vector<16xf32>
      %max3A_354 = arith.maximumf %max3A_347, %gather3A_353 : vector<16xf32>
      %sub3A_355 = arith.subf %get3A_326, %max3A_354 : vector<16xf32>
      %exp3A_356 = math.exp %sub3A_355 : vector<16xf32>
      %xor3A_357 = arith.constant 1 : i32
      %xor3A_358 = vector.broadcast %xor3A_357 : i32 to vector<16xi32>
      %xor3A_359 = arith.xori %iota3A, %xor3A_358 : vector<16xi32>
      %broadcast_in_dim3A_360 = vector.shape_cast %xor3A_359 : vector<16xi32> to vector<16x1xi32>
      %gather3A_361 = vector.shape_cast %broadcast_in_dim3A_360 : vector<16x1xi32> to vector<16xi32>
      %gather3A_362 = tpu.dynamic_gather %exp3A_356[%gather3A_361] in [0] : vector<16xf32>, vector<16xi32> -> vector<16xf32>
      %add3A_363 = arith.addf %exp3A_356, %gather3A_362 : vector<16xf32>
      %xor3A_364 = arith.constant 2 : i32
      %xor3A_365 = vector.broadcast %xor3A_364 : i32 to vector<16xi32>
      %xor3A_366 = arith.xori %iota3A, %xor3A_365 : vector<16xi32>
      %broadcast_in_dim3A_367 = vector.shape_cast %xor3A_366 : vector<16xi32> to vector<16x1xi32>
      %gather3A_368 = vector.shape_cast %broadcast_in_dim3A_367 : vector<16x1xi32> to vector<16xi32>
      %gather3A_369 = tpu.dynamic_gather %add3A_363[%gather3A_368] in [0] : vector<16xf32>, vector<16xi32> -> vector<16xf32>
      %add3A_370 = arith.addf %add3A_363, %gather3A_369 : vector<16xf32>
      %xor3A_371 = arith.constant 4 : i32
      %xor3A_372 = vector.broadcast %xor3A_371 : i32 to vector<16xi32>
      %xor3A_373 = arith.xori %iota3A, %xor3A_372 : vector<16xi32>
      %broadcast_in_dim3A_374 = vector.shape_cast %xor3A_373 : vector<16xi32> to vector<16x1xi32>
      %gather3A_375 = vector.shape_cast %broadcast_in_dim3A_374 : vector<16x1xi32> to vector<16xi32>
      %gather3A_376 = tpu.dynamic_gather %add3A_370[%gather3A_375] in [0] : vector<16xf32>, vector<16xi32> -> vector<16xf32>
      %add3A_377 = arith.addf %add3A_370, %gather3A_376 : vector<16xf32>
      %xor3A_378 = arith.constant 8 : i32
      %xor3A_379 = vector.broadcast %xor3A_378 : i32 to vector<16xi32>
      %xor3A_380 = arith.xori %iota3A, %xor3A_379 : vector<16xi32>
      %broadcast_in_dim3A_381 = vector.shape_cast %xor3A_380 : vector<16xi32> to vector<16x1xi32>
      %gather3A_382 = vector.shape_cast %broadcast_in_dim3A_381 : vector<16x1xi32> to vector<16xi32>
      %gather3A_383 = tpu.dynamic_gather %add3A_377[%gather3A_382] in [0] : vector<16xf32>, vector<16xi32> -> vector<16xf32>
      %add3A_384 = arith.addf %add3A_377, %gather3A_383 : vector<16xf32>
      %div3A_385 = arith.divf %exp3A_356, %add3A_384 : vector<16xf32>
      %add3A_386 = arith.addf %add3A_278, %div3A_385 : vector<16xf32>
      %eq3A_387 = arith.cmpf oeq, %get3A_326, %max3A_354 : vector<16xf32>
      %jit3A_388 = arith.constant 16 : i32
      %broadcast_in_dim3A_389 = vector.broadcast %jit3A_388 : i32 to vector<16xi32>
      %select_n3A_390 = arith.select %eq3A_387, %iota3A, %broadcast_in_dim3A_389 : vector<16xi1>, vector<16xi32>
      %xor3A_391 = arith.constant 1 : i32
      %xor3A_392 = vector.broadcast %xor3A_391 : i32 to vector<16xi32>
      %xor3A_393 = arith.xori %iota3A, %xor3A_392 : vector<16xi32>
      %broadcast_in_dim3A_394 = vector.shape_cast %xor3A_393 : vector<16xi32> to vector<16x1xi32>
      %gather3A_395 = vector.shape_cast %broadcast_in_dim3A_394 : vector<16x1xi32> to vector<16xi32>
      %gather3A_396 = tpu.dynamic_gather %select_n3A_390[%gather3A_395] in [0] : vector<16xi32>, vector<16xi32> -> vector<16xi32>
      %min3A_397 = arith.minsi %select_n3A_390, %gather3A_396 : vector<16xi32>
      %xor3A_398 = arith.constant 2 : i32
      %xor3A_399 = vector.broadcast %xor3A_398 : i32 to vector<16xi32>
      %xor3A_400 = arith.xori %iota3A, %xor3A_399 : vector<16xi32>
      %broadcast_in_dim3A_401 = vector.shape_cast %xor3A_400 : vector<16xi32> to vector<16x1xi32>
      %gather3A_402 = vector.shape_cast %broadcast_in_dim3A_401 : vector<16x1xi32> to vector<16xi32>
      %gather3A_403 = tpu.dynamic_gather %min3A_397[%gather3A_402] in [0] : vector<16xi32>, vector<16xi32> -> vector<16xi32>
      %min3A_404 = arith.minsi %min3A_397, %gather3A_403 : vector<16xi32>
      %xor3A_405 = arith.constant 4 : i32
      %xor3A_406 = vector.broadcast %xor3A_405 : i32 to vector<16xi32>
      %xor3A_407 = arith.xori %iota3A, %xor3A_406 : vector<16xi32>
      %broadcast_in_dim3A_408 = vector.shape_cast %xor3A_407 : vector<16xi32> to vector<16x1xi32>
      %gather3A_409 = vector.shape_cast %broadcast_in_dim3A_408 : vector<16x1xi32> to vector<16xi32>
      %gather3A_410 = tpu.dynamic_gather %min3A_404[%gather3A_409] in [0] : vector<16xi32>, vector<16xi32> -> vector<16xi32>
      %min3A_411 = arith.minsi %min3A_404, %gather3A_410 : vector<16xi32>
      %xor3A_412 = arith.constant 8 : i32
      %xor3A_413 = vector.broadcast %xor3A_412 : i32 to vector<16xi32>
      %xor3A_414 = arith.xori %iota3A, %xor3A_413 : vector<16xi32>
      %broadcast_in_dim3A_415 = vector.shape_cast %xor3A_414 : vector<16xi32> to vector<16x1xi32>
      %gather3A_416 = vector.shape_cast %broadcast_in_dim3A_415 : vector<16x1xi32> to vector<16xi32>
      %gather3A_417 = tpu.dynamic_gather %min3A_411[%gather3A_416] in [0] : vector<16xi32>, vector<16xi32> -> vector<16xi32>
      %min3A_418 = arith.minsi %min3A_411, %gather3A_417 : vector<16xi32>
      %eq3A_419 = arith.cmpi eq, %iota3A, %min3A_418 : vector<16xi32>
      %jit3A_420 = arith.constant 1.000000e+00 : f32
      %jit3A_421 = arith.constant 0.000000e+00 : f32
      %broadcast_in_dim3A_422 = vector.broadcast %jit3A_420 : f32 to vector<16xf32>
      %broadcast_in_dim3A_423 = vector.broadcast %jit3A_421 : f32 to vector<16xf32>
      %select_n3A_424 = arith.select %eq3A_419, %broadcast_in_dim3A_422, %broadcast_in_dim3A_423 : vector<16xi1>, vector<16xf32>
      %add3A_425 = arith.addf %add3A_317, %select_n3A_424 : vector<16xf32>
      %eq3A_426 = arith.constant 3 : i32
      %eq3A_427 = vector.broadcast %eq3A_426 : i32 to vector<16xi32>
      %eq3A_428 = arith.cmpi eq, %iota3A, %eq3A_427 : vector<16xi32>
      %select_n3A_429 = arith.select %eq3A_428, %min3A_418, %select_n3A_321 : vector<16xi1>, vector<16xi32>
      %mul3A_430 = arith.mulf %add3A_386, %add3A_425 : vector<16xf32>
      %mul3A_431 = arith.constant 6.250000e-01 : f32
      %mul3A_432 = vector.broadcast %mul3A_431 : f32 to vector<16xf32>
      %mul3A_433 = arith.mulf %mul3A_430, %mul3A_432 : vector<16xf32>
      %xor3A_434 = arith.constant 1 : i32
      %xor3A_435 = vector.broadcast %xor3A_434 : i32 to vector<16xi32>
      %xor3A_436 = arith.xori %iota3A, %xor3A_435 : vector<16xi32>
      %broadcast_in_dim3A_437 = vector.shape_cast %xor3A_436 : vector<16xi32> to vector<16x1xi32>
      %gather3A_438 = vector.shape_cast %broadcast_in_dim3A_437 : vector<16x1xi32> to vector<16xi32>
      %gather3A_439 = tpu.dynamic_gather %mul3A_433[%gather3A_438] in [0] : vector<16xf32>, vector<16xi32> -> vector<16xf32>
      %add3A_440 = arith.addf %mul3A_433, %gather3A_439 : vector<16xf32>
      %xor3A_441 = arith.constant 2 : i32
      %xor3A_442 = vector.broadcast %xor3A_441 : i32 to vector<16xi32>
      %xor3A_443 = arith.xori %iota3A, %xor3A_442 : vector<16xi32>
      %broadcast_in_dim3A_444 = vector.shape_cast %xor3A_443 : vector<16xi32> to vector<16x1xi32>
      %gather3A_445 = vector.shape_cast %broadcast_in_dim3A_444 : vector<16x1xi32> to vector<16xi32>
      %gather3A_446 = tpu.dynamic_gather %add3A_440[%gather3A_445] in [0] : vector<16xf32>, vector<16xi32> -> vector<16xf32>
      %add3A_447 = arith.addf %add3A_440, %gather3A_446 : vector<16xf32>
      %xor3A_448 = arith.constant 4 : i32
      %xor3A_449 = vector.broadcast %xor3A_448 : i32 to vector<16xi32>
      %xor3A_450 = arith.xori %iota3A, %xor3A_449 : vector<16xi32>
      %broadcast_in_dim3A_451 = vector.shape_cast %xor3A_450 : vector<16xi32> to vector<16x1xi32>
      %gather3A_452 = vector.shape_cast %broadcast_in_dim3A_451 : vector<16x1xi32> to vector<16xi32>
      %gather3A_453 = tpu.dynamic_gather %add3A_447[%gather3A_452] in [0] : vector<16xf32>, vector<16xi32> -> vector<16xf32>
      %add3A_454 = arith.addf %add3A_447, %gather3A_453 : vector<16xf32>
      %xor3A_455 = arith.constant 8 : i32
      %xor3A_456 = vector.broadcast %xor3A_455 : i32 to vector<16xi32>
      %xor3A_457 = arith.xori %iota3A, %xor3A_456 : vector<16xi32>
      %broadcast_in_dim3A_458 = vector.shape_cast %xor3A_457 : vector<16xi32> to vector<16x1xi32>
      %gather3A_459 = vector.shape_cast %broadcast_in_dim3A_458 : vector<16x1xi32> to vector<16xi32>
      %gather3A_460 = tpu.dynamic_gather %add3A_454[%gather3A_459] in [0] : vector<16xf32>, vector<16xi32> -> vector<16xf32>
      %add3A_461 = arith.addf %add3A_454, %gather3A_460 : vector<16xf32>
      %swap3A = arith.constant 0 : index
      %swap3A_462 = tpu.vector_load %arg6[%swap3A] {strides = array<i32>} : memref<16xi32, #tpu.memory_space<vmem>>, vector<16xi32>,
      %swap3A_463 = vector.shape_cast %swap3A_462 : vector<16xi32> to vector<16xi32>
      %swap3A_464 = vector.shape_cast %select_n3A_429 : vector<16xi32> to vector<16xi32>
      tpu.vector_store %arg6[%swap3A], %swap3A_464 {strides = array<i32>} : memref<16xi32, #tpu.memory_space<vmem>>, vector<16xi32>,
      %swap3A_465 = arith.constant 0 : index
      %swap3A_466 = tpu.vector_load %arg7[%swap3A_465] {strides = array<i32>} : memref<16xf32, #tpu.memory_space<vmem>>, vector<16xf32>,
      %swap3A_467 = vector.shape_cast %swap3A_466 : vector<16xf32> to vector<16xf32>
      %swap3A_468 = vector.shape_cast %add3A_461 : vector<16xf32> to vector<16xf32>
      tpu.vector_store %arg7[%swap3A_465], %swap3A_468 {strides = array<i32>} : memref<16xf32, #tpu.memory_space<vmem>>, vector<16xf32>,
      "tpu.region"() ({
        %run_scoped3A = tpu.sem_alloc : memref<!tpu.dma_semaphore, #tpu.memory_space<semaphore_mem>>
        tpu.enqueue_dma source(%arg6 : memref<16xi32, #tpu.memory_space<vmem>>) target(%arg3 : memref<16xi32, #tpu.memory_space<hbm>>) target_semaphore(%run_scoped3A : memref<!tpu.dma_semaphore, #tpu.memory_space<semaphore_mem>>)
        tpu.wait_dma2 semaphore(%run_scoped3A : memref<!tpu.dma_semaphore, #tpu.memory_space<semaphore_mem>>) src(%arg6 : memref<16xi32, #tpu.memory_space<vmem>>) dst(%arg3 : memref<16xi32, #tpu.memory_space<hbm>>)
        tpu.yield
      }) : () -> ()
      "tpu.region"() ({
        %run_scoped3A = tpu.sem_alloc : memref<!tpu.dma_semaphore, #tpu.memory_space<semaphore_mem>>
        tpu.enqueue_dma source(%arg7 : memref<16xf32, #tpu.memory_space<vmem>>) target(%arg4 : memref<16xf32, #tpu.memory_space<hbm>>) target_semaphore(%run_scoped3A : memref<!tpu.dma_semaphore, #tpu.memory_space<semaphore_mem>>)
        tpu.wait_dma2 semaphore(%run_scoped3A : memref<!tpu.dma_semaphore, #tpu.memory_space<semaphore_mem>>) src(%arg7 : memref<16xf32, #tpu.memory_space<vmem>>) dst(%arg4 : memref<16xf32, #tpu.memory_space<hbm>>)
        tpu.yield
      }) : () -> ()
    } else {
    }
    return
  }
}

module attributes {stable_mosaic.version = 14 : i64} {
  func.func @_router_body(%arg0: memref<4x1024x768xf32, #tpu.memory_space<vmem>>, %arg1: memref<4x768xf32, #tpu.memory_space<vmem>>, %arg2: memref<4608x768xf32, #tpu.memory_space<vmem>>, %arg3: memref<1x4608xf32, #tpu.memory_space<vmem>>, %arg4: memref<10x768xf32, #tpu.memory_space<vmem>>, %arg5: memref<4x4608xf32, #tpu.memory_space<vmem>>, %arg6: memref<4x16xf32, #tpu.memory_space<vmem>>) attributes {dimension_semantics = [], scalar_prefetch = 0 : i64, scratch_operands = 0 : i64, tpu.core_type = #tpu.core_type<tc>} {
    %get3A = arith.constant 0 : index
    %get3A_0 = arith.constant 0 : index
    %get3A_1 = arith.constant 0 : index
    %get3A_2 = vector.load %arg0[%get3A, %get3A_0, %get3A_1] : memref<4x1024x768xf32, #tpu.memory_space<vmem>>, vector<4x1024x768xf32>
    %reduce_sum3A = arith.constant dense<0.000000e+00> : vector<4x768xf32>
    %reduce_sum3A_3 = vector.multi_reduction <add>, %get3A_2, %reduce_sum3A [1] : vector<4x1024x768xf32> to vector<4x768xf32>
    %div3A = arith.constant 1.024000e+03 : f32
    %div3A_4 = vector.broadcast %div3A : f32 to vector<4x768xf32>
    %div3A_5 = arith.divf %reduce_sum3A_3, %div3A_4 : vector<4x768xf32>
    %get3A_6 = arith.constant 0 : index
    %get3A_7 = arith.constant 0 : index
    %get3A_8 = vector.load %arg1[%get3A_6, %get3A_7] : memref<4x768xf32, #tpu.memory_space<vmem>>, vector<4x768xf32>
    %logistic3A = arith.negf %get3A_8 : vector<4x768xf32>
    %logistic3A_9 = math.exp %logistic3A : vector<4x768xf32>
    %logistic3A_10 = arith.constant 1.000000e+00 : f32
    %logistic3A_11 = vector.broadcast %logistic3A_10 : f32 to vector<4x768xf32>
    %logistic3A_12 = arith.addf %logistic3A_11, %logistic3A_9 : vector<4x768xf32>
    %logistic3A_13 = arith.divf %logistic3A_11, %logistic3A_12 : vector<4x768xf32>
    %mul3A = arith.mulf %get3A_8, %logistic3A_13 : vector<4x768xf32>
    %get3A_14 = arith.constant 0 : index
    %get3A_15 = arith.constant 0 : index
    %get3A_16 = vector.load %arg2[%get3A_14, %get3A_15] : memref<4608x768xf32, #tpu.memory_space<vmem>>, vector<4608x768xf32>
    %dot_general3A = arith.constant dense<0.000000e+00> : vector<4x4608xf32>
    %dot_general3A_17 = tpu.matmul %mul3A, %get3A_16, %dot_general3A {dimension_numbers = #tpu.dot_dimension_numbers<[1], [1], [0], [0], [0, 0, 1, 0], [], []>, transpose_lhs_hint = false} : vector<4x768xf32>, vector<4608x768xf32>, vector<4x4608xf32> -> vector<4x4608xf32>
    %get3A_18 = arith.constant 0 : index
    %get3A_19 = arith.constant 0 : index
    %get3A_20 = vector.load %arg3[%get3A_18, %get3A_19] : memref<1x4608xf32, #tpu.memory_space<vmem>>, vector<1x4608xf32>
    %add3A = vector.broadcast %get3A_20 : vector<1x4608xf32> to vector<4x4608xf32>
    %add3A_21 = arith.addf %dot_general3A_17, %add3A : vector<4x4608xf32>
    %swap3A = arith.constant 0 : index
    %swap3A_22 = arith.constant 0 : index
    %swap3A_23 = vector.load %arg5[%swap3A, %swap3A_22] : memref<4x4608xf32, #tpu.memory_space<vmem>>, vector<4x4608xf32>
    tpu.vector_store %arg5[%swap3A, %swap3A_22], %add3A_21 {strides = array<i32>} : memref<4x4608xf32, #tpu.memory_space<vmem>>, vector<4x4608xf32>,
    %slice3A = vector.extract_strided_slice %add3A_21 {offsets = [0, 0], sizes = [4, 768], strides = [1, 1]} : vector<4x4608xf32> to vector<4x768xf32>
    %slice3A_24 = vector.extract_strided_slice %add3A_21 {offsets = [0, 768], sizes = [4, 768], strides = [1, 1]} : vector<4x4608xf32> to vector<4x768xf32>
    %add3A_25 = arith.constant 1.000000e+00 : f32
    %add3A_26 = vector.broadcast %add3A_25 : f32 to vector<4x768xf32>
    %add3A_27 = arith.addf %add3A_26, %slice3A_24 : vector<4x768xf32>
    %mul3A_28 = arith.mulf %div3A_5, %add3A_27 : vector<4x768xf32>
    %add3A_29 = arith.addf %mul3A_28, %slice3A : vector<4x768xf32>
    %get3A_30 = arith.constant 0 : index
    %get3A_31 = arith.constant 0 : index
    %get3A_32 = vector.load %arg4[%get3A_30, %get3A_31] : memref<10x768xf32, #tpu.memory_space<vmem>>, vector<10x768xf32>
    %dot_general3A_33 = arith.constant dense<0.000000e+00> : vector<4x10xf32>
    %dot_general3A_34 = tpu.matmul %add3A_29, %get3A_32, %dot_general3A_33 {dimension_numbers = #tpu.dot_dimension_numbers<[1], [1], [0], [0], [0, 0, 1, 0], [], []>, transpose_lhs_hint = false} : vector<4x768xf32>, vector<10x768xf32>, vector<4x10xf32> -> vector<4x10xf32>
    %swap3A_35 = arith.constant 0 : index
    %swap3A_36 = arith.constant 0 : index
    %swap3A_37 = vector.load %arg6[%swap3A_35, %swap3A_36] : memref<4x16xf32, #tpu.memory_space<vmem>>, vector<4x10xf32>
    tpu.vector_store %arg6[%swap3A_35, %swap3A_36], %dot_general3A_34 {strides = array<i32>} : memref<4x16xf32, #tpu.memory_space<vmem>>, vector<4x10xf32>,
    %broadcast_in_dim3A = arith.constant -1.000000e+30 : f32
    %broadcast_in_dim3A_38 = vector.broadcast %broadcast_in_dim3A : f32 to vector<4x6xf32>
    %swap3A_39 = arith.constant 0 : index
    %swap3A_40 = arith.constant 10 : index
    %swap3A_41 = vector.load %arg6[%swap3A_39, %swap3A_40] : memref<4x16xf32, #tpu.memory_space<vmem>>, vector<4x6xf32>
    tpu.vector_store %arg6[%swap3A_39, %swap3A_40], %broadcast_in_dim3A_38 {strides = array<i32>} : memref<4x16xf32, #tpu.memory_space<vmem>>, vector<4x6xf32>,
    return
  }
}

module attributes {stable_mosaic.version = 14 : i64} {
  func.func @_block_body(%arg0: i32, %arg1: memref<16xi32, #tpu.memory_space<smem>>, %arg2: memref<1x1024x768xf32, #tpu.memory_space<vmem>>, %arg3: memref<1x1x4608xf32, #tpu.memory_space<vmem>>, %arg4: memref<1x1024x1024xf32, #tpu.memory_space<vmem>>, %arg5: memref<1x1x1024xf32, #tpu.memory_space<vmem>>, %arg6: memref<1x1024x1024xf32, #tpu.memory_space<vmem>>, %arg7: memref<1x1x1024xf32, #tpu.memory_space<vmem>>, %arg8: memref<768x768xf32, #tpu.memory_space<vmem>>, %arg9: memref<1x768xf32, #tpu.memory_space<vmem>>, %arg10: memref<3072x768xf32, #tpu.memory_space<vmem>>, %arg11: memref<1x3072xf32, #tpu.memory_space<vmem>>, %arg12: memref<768x3072xf32, #tpu.memory_space<vmem>>, %arg13: memref<1x768xf32, #tpu.memory_space<vmem>>, %arg14: memref<1x1024x768xf32, #tpu.memory_space<vmem>>) attributes {dimension_semantics = [#tpu.dimension_semantics<arbitrary>], iteration_bounds = array<i64: 4>, scalar_prefetch = 1 : i64, scratch_operands = 0 : i64, tpu.core_type = #tpu.core_type<tc>, window_params = [{transform_indices = @transform_0, window_bounds = array<i64: 1, 1024, 768>}, {transform_indices = @transform_1, window_bounds = array<i64: 1, 1, 4608>}, {transform_indices = @transform_2, window_bounds = array<i64: 1, 1024, 1024>}, {transform_indices = @transform_3, window_bounds = array<i64: 1, 1, 1024>}, {transform_indices = @transform_4, window_bounds = array<i64: 1, 1024, 1024>}, {transform_indices = @transform_5, window_bounds = array<i64: 1, 1, 1024>}, {pipeline_mode = #tpu.pipeline_mode<synchronous>, transform_indices = @transform_6, window_bounds = array<i64: 768, 768>}, {pipeline_mode = #tpu.pipeline_mode<synchronous>, transform_indices = @transform_7, window_bounds = array<i64: 1, 768>}, {pipeline_mode = #tpu.pipeline_mode<synchronous>, transform_indices = @transform_8, window_bounds = array<i64: 3072, 768>}, {pipeline_mode = #tpu.pipeline_mode<synchronous>, transform_indices = @transform_9, window_bounds = array<i64: 1, 3072>}, {pipeline_mode = #tpu.pipeline_mode<synchronous>, transform_indices = @transform_10, window_bounds = array<i64: 768, 3072>}, {pipeline_mode = #tpu.pipeline_mode<synchronous>, transform_indices = @transform_11, window_bounds = array<i64: 1, 768>}, {transform_indices = @transform_12, window_bounds = array<i64: 1, 1024, 768>}]} {
    %get3A = arith.constant 0 : index
    %get3A_0 = arith.constant 0 : index
    %get3A_1 = arith.constant 0 : index
    %get3A_2 = vector.load %arg2[%get3A, %get3A_0, %get3A_1] : memref<1x1024x768xf32, #tpu.memory_space<vmem>>, vector<1x1024x768xf32>
    %get3A_3 = vector.shape_cast %get3A_2 : vector<1x1024x768xf32> to vector<1024x768xf32>
    %get3A_4 = arith.constant 0 : index
    %get3A_5 = arith.constant 0 : index
    %get3A_6 = arith.constant 0 : index
    %get3A_7 = vector.load %arg3[%get3A_4, %get3A_5, %get3A_6] : memref<1x1x4608xf32, #tpu.memory_space<vmem>>, vector<1x1x4608xf32>
    %get3A_8 = vector.shape_cast %get3A_7 : vector<1x1x4608xf32> to vector<1x4608xf32>
    %slice3A = vector.extract_strided_slice %get3A_8 {offsets = [0, 0], sizes = [1, 768], strides = [1, 1]} : vector<1x4608xf32> to vector<1x768xf32>
    %slice3A_9 = vector.extract_strided_slice %get3A_8 {offsets = [0, 768], sizes = [1, 768], strides = [1, 1]} : vector<1x4608xf32> to vector<1x768xf32>
    %slice3A_10 = vector.extract_strided_slice %get3A_8 {offsets = [0, 1536], sizes = [1, 768], strides = [1, 1]} : vector<1x4608xf32> to vector<1x768xf32>
    %slice3A_11 = vector.extract_strided_slice %get3A_8 {offsets = [0, 2304], sizes = [1, 768], strides = [1, 1]} : vector<1x4608xf32> to vector<1x768xf32>
    %slice3A_12 = vector.extract_strided_slice %get3A_8 {offsets = [0, 3072], sizes = [1, 768], strides = [1, 1]} : vector<1x4608xf32> to vector<1x768xf32>
    %slice3A_13 = vector.extract_strided_slice %get3A_8 {offsets = [0, 3840], sizes = [1, 768], strides = [1, 1]} : vector<1x4608xf32> to vector<1x768xf32>
    %add3A = arith.constant 1.000000e+00 : f32
    %add3A_14 = vector.broadcast %add3A : f32 to vector<1x768xf32>
    %add3A_15 = arith.addf %add3A_14, %slice3A_9 : vector<1x768xf32>
    %mul3A = vector.broadcast %add3A_15 : vector<1x768xf32> to vector<1024x768xf32>
    %mul3A_16 = arith.mulf %get3A_3, %mul3A : vector<1024x768xf32>
    %add3A_17 = vector.broadcast %slice3A : vector<1x768xf32> to vector<1024x768xf32>
    %add3A_18 = arith.addf %mul3A_16, %add3A_17 : vector<1024x768xf32>
    %reduce_sum3A = arith.constant dense<0.000000e+00> : vector<768xf32>
    %reduce_sum3A_19 = vector.multi_reduction <add>, %add3A_18, %reduce_sum3A [0] : vector<1024x768xf32> to vector<768xf32>
    %broadcast_in_dim3A = vector.shape_cast %reduce_sum3A_19 : vector<768xf32> to vector<1x768xf32>
    %div3A = arith.constant 1.024000e+03 : f32
    %div3A_20 = vector.broadcast %div3A : f32 to vector<1x768xf32>
    %div3A_21 = arith.divf %broadcast_in_dim3A, %div3A_20 : vector<1x768xf32>
    %sub3A = vector.broadcast %div3A_21 : vector<1x768xf32> to vector<1024x768xf32>
    %sub3A_22 = arith.subf %add3A_18, %sub3A : vector<1024x768xf32>
    %integer_pow3A = arith.mulf %sub3A_22, %sub3A_22 : vector<1024x768xf32>
    %reduce_sum3A_23 = arith.constant dense<0.000000e+00> : vector<768xf32>
    %reduce_sum3A_24 = vector.multi_reduction <add>, %integer_pow3A, %reduce_sum3A_23 [0] : vector<1024x768xf32> to vector<768xf32>
    %broadcast_in_dim3A_25 = vector.shape_cast %reduce_sum3A_24 : vector<768xf32> to vector<1x768xf32>
    %div3A_26 = arith.constant 1.024000e+03 : f32
    %div3A_27 = vector.broadcast %div3A_26 : f32 to vector<1x768xf32>
    %div3A_28 = arith.divf %broadcast_in_dim3A_25, %div3A_27 : vector<1x768xf32>
    %sub3A_29 = vector.broadcast %div3A_21 : vector<1x768xf32> to vector<1024x768xf32>
    %sub3A_30 = arith.subf %add3A_18, %sub3A_29 : vector<1024x768xf32>
    %add3A_31 = arith.constant 9.99999974E-6 : f32
    %add3A_32 = vector.broadcast %add3A_31 : f32 to vector<1x768xf32>
    %add3A_33 = arith.addf %div3A_28, %add3A_32 : vector<1x768xf32>
    %rsqrt3A = math.rsqrt %add3A_33 : vector<1x768xf32>
    %mul3A_34 = vector.broadcast %rsqrt3A : vector<1x768xf32> to vector<1024x768xf32>
    %mul3A_35 = arith.mulf %sub3A_30, %mul3A_34 : vector<1024x768xf32>
    %get3A_36 = arith.constant 0 : index
    %get3A_37 = arith.constant 0 : index
    %get3A_38 = arith.constant 0 : index
    %get3A_39 = vector.load %arg4[%get3A_36, %get3A_37, %get3A_38] : memref<1x1024x1024xf32, #tpu.memory_space<vmem>>, vector<1x1024x1024xf32>
    %get3A_40 = vector.shape_cast %get3A_39 : vector<1x1024x1024xf32> to vector<1024x1024xf32>
    %dot_general3A = arith.constant dense<0.000000e+00> : vector<768x1024xf32>
    %dot_general3A_41 = tpu.matmul %mul3A_35, %get3A_40, %dot_general3A {dimension_numbers = #tpu.dot_dimension_numbers<[0], [1], [1], [0], [0, 1, 1, 0], [], []>, transpose_lhs_hint = false} : vector<1024x768xf32>, vector<1024x1024xf32>, vector<768x1024xf32> -> vector<768x1024xf32>
    %get3A_42 = arith.constant 0 : index
    %get3A_43 = arith.constant 0 : index
    %get3A_44 = arith.constant 0 : index
    %get3A_45 = vector.load %arg5[%get3A_42, %get3A_43, %get3A_44] : memref<1x1x1024xf32, #tpu.memory_space<vmem>>, vector<1x1x1024xf32>
    %get3A_46 = vector.shape_cast %get3A_45 : vector<1x1x1024xf32> to vector<1x1024xf32>
    %add3A_47 = vector.broadcast %get3A_46 : vector<1x1024xf32> to vector<768x1024xf32>
    %add3A_48 = arith.addf %dot_general3A_41, %add3A_47 : vector<768x1024xf32>
    %integer_pow3A_49 = arith.mulf %add3A_48, %add3A_48 : vector<768x1024xf32>
    %integer_pow3A_50 = arith.mulf %add3A_48, %integer_pow3A_49 : vector<768x1024xf32>
    %mul3A_51 = arith.constant 4.471500e-02 : f32
    %mul3A_52 = vector.broadcast %mul3A_51 : f32 to vector<768x1024xf32>
    %mul3A_53 = arith.mulf %mul3A_52, %integer_pow3A_50 : vector<768x1024xf32>
    %add3A_54 = arith.addf %add3A_48, %mul3A_53 : vector<768x1024xf32>
    %mul3A_55 = arith.constant 0.797884583 : f32
    %mul3A_56 = vector.broadcast %mul3A_55 : f32 to vector<768x1024xf32>
    %mul3A_57 = arith.mulf %mul3A_56, %add3A_54 : vector<768x1024xf32>
    %tanh3A = math.tanh %mul3A_57 : vector<768x1024xf32>
    %add3A_58 = arith.constant 1.000000e+00 : f32
    %add3A_59 = vector.broadcast %add3A_58 : f32 to vector<768x1024xf32>
    %add3A_60 = arith.addf %add3A_59, %tanh3A : vector<768x1024xf32>
    %mul3A_61 = arith.constant 5.000000e-01 : f32
    %mul3A_62 = vector.broadcast %mul3A_61 : f32 to vector<768x1024xf32>
    %mul3A_63 = arith.mulf %mul3A_62, %add3A_60 : vector<768x1024xf32>
    %mul3A_64 = arith.mulf %add3A_48, %mul3A_63 : vector<768x1024xf32>
    %get3A_65 = arith.constant 0 : index
    %get3A_66 = arith.constant 0 : index
    %get3A_67 = arith.constant 0 : index
    %get3A_68 = vector.load %arg6[%get3A_65, %get3A_66, %get3A_67] : memref<1x1024x1024xf32, #tpu.memory_space<vmem>>, vector<1x1024x1024xf32>
    %get3A_69 = vector.shape_cast %get3A_68 : vector<1x1024x1024xf32> to vector<1024x1024xf32>
    %dot_general3A_70 = arith.constant dense<0.000000e+00> : vector<768x1024xf32>
    %dot_general3A_71 = tpu.matmul %mul3A_64, %get3A_69, %dot_general3A_70 {dimension_numbers = #tpu.dot_dimension_numbers<[1], [1], [0], [0], [0, 0, 1, 0], [], []>, transpose_lhs_hint = false} : vector<768x1024xf32>, vector<1024x1024xf32>, vector<768x1024xf32> -> vector<768x1024xf32>
    %get3A_72 = arith.constant 0 : index
    %get3A_73 = arith.constant 0 : index
    %get3A_74 = arith.constant 0 : index
    %get3A_75 = vector.load %arg7[%get3A_72, %get3A_73, %get3A_74] : memref<1x1x1024xf32, #tpu.memory_space<vmem>>, vector<1x1x1024xf32>
    %get3A_76 = vector.shape_cast %get3A_75 : vector<1x1x1024xf32> to vector<1x1024xf32>
    %add3A_77 = vector.broadcast %get3A_76 : vector<1x1024xf32> to vector<768x1024xf32>
    %add3A_78 = arith.addf %dot_general3A_71, %add3A_77 : vector<768x1024xf32>
    %get3A_79 = arith.constant 0 : index
    %get3A_80 = arith.constant 0 : index
    %get3A_81 = vector.load %arg8[%get3A_79, %get3A_80] : memref<768x768xf32, #tpu.memory_space<vmem>>, vector<768x768xf32>
    %dot_general3A_82 = arith.constant dense<0.000000e+00> : vector<1024x768xf32>
    %dot_general3A_83 = tpu.matmul %add3A_78, %get3A_81, %dot_general3A_82 {dimension_numbers = #tpu.dot_dimension_numbers<[0], [1], [1], [0], [0, 1, 1, 0], [], []>, transpose_lhs_hint = false} : vector<768x1024xf32>, vector<768x768xf32>, vector<1024x768xf32> -> vector<1024x768xf32>
    %get3A_84 = arith.constant 0 : index
    %get3A_85 = arith.constant 0 : index
    %get3A_86 = vector.load %arg9[%get3A_84, %get3A_85] : memref<1x768xf32, #tpu.memory_space<vmem>>, vector<1x768xf32>
    %add3A_87 = vector.broadcast %get3A_86 : vector<1x768xf32> to vector<1024x768xf32>
    %add3A_88 = arith.addf %dot_general3A_83, %add3A_87 : vector<1024x768xf32>
    %slice3A_89 = vector.extract_strided_slice %get3A_3 {offsets = [0, 0], sizes = [512, 768], strides = [1, 1]} : vector<1024x768xf32> to vector<512x768xf32>
    %slice3A_90 = vector.extract_strided_slice %add3A_88 {offsets = [0, 0], sizes = [512, 768], strides = [1, 1]} : vector<1024x768xf32> to vector<512x768xf32>
    %mul3A_91 = vector.broadcast %slice3A_10 : vector<1x768xf32> to vector<512x768xf32>
    %mul3A_92 = arith.mulf %mul3A_91, %slice3A_90 : vector<512x768xf32>
    %add3A_93 = arith.addf %slice3A_89, %mul3A_92 : vector<512x768xf32>
    %reduce_sum3A_94 = arith.constant dense<0.000000e+00> : vector<512xf32>
    %reduce_sum3A_95 = vector.multi_reduction <add>, %add3A_93, %reduce_sum3A_94 [1] : vector<512x768xf32> to vector<512xf32>
    %broadcast_in_dim3A_96 = vector.shape_cast %reduce_sum3A_95 : vector<512xf32> to vector<512x1xf32>
    %div3A_97 = arith.constant 7.680000e+02 : f32
    %div3A_98 = vector.broadcast %div3A_97 : f32 to vector<512x1xf32>
    %div3A_99 = arith.divf %broadcast_in_dim3A_96, %div3A_98 : vector<512x1xf32>
    %sub3A_100 = vector.broadcast %div3A_99 : vector<512x1xf32> to vector<512x768xf32>
    %sub3A_101 = arith.subf %add3A_93, %sub3A_100 : vector<512x768xf32>
    %integer_pow3A_102 = arith.mulf %sub3A_101, %sub3A_101 : vector<512x768xf32>
    %reduce_sum3A_103 = arith.constant dense<0.000000e+00> : vector<512xf32>
    %reduce_sum3A_104 = vector.multi_reduction <add>, %integer_pow3A_102, %reduce_sum3A_103 [1] : vector<512x768xf32> to vector<512xf32>
    %broadcast_in_dim3A_105 = vector.shape_cast %reduce_sum3A_104 : vector<512xf32> to vector<512x1xf32>
    %div3A_106 = arith.constant 7.680000e+02 : f32
    %div3A_107 = vector.broadcast %div3A_106 : f32 to vector<512x1xf32>
    %div3A_108 = arith.divf %broadcast_in_dim3A_105, %div3A_107 : vector<512x1xf32>
    %sub3A_109 = vector.broadcast %div3A_99 : vector<512x1xf32> to vector<512x768xf32>
    %sub3A_110 = arith.subf %add3A_93, %sub3A_109 : vector<512x768xf32>
    %add3A_111 = arith.constant 9.99999997E-7 : f32
    %add3A_112 = vector.broadcast %add3A_111 : f32 to vector<512x1xf32>
    %add3A_113 = arith.addf %div3A_108, %add3A_112 : vector<512x1xf32>
    %rsqrt3A_114 = math.rsqrt %add3A_113 : vector<512x1xf32>
    %mul3A_115 = vector.broadcast %rsqrt3A_114 : vector<512x1xf32> to vector<512x768xf32>
    %mul3A_116 = arith.mulf %sub3A_110, %mul3A_115 : vector<512x768xf32>
    %add3A_117 = arith.constant 1.000000e+00 : f32
    %add3A_118 = vector.broadcast %add3A_117 : f32 to vector<1x768xf32>
    %add3A_119 = arith.addf %add3A_118, %slice3A_12 : vector<1x768xf32>
    %mul3A_120 = vector.broadcast %add3A_119 : vector<1x768xf32> to vector<512x768xf32>
    %mul3A_121 = arith.mulf %mul3A_116, %mul3A_120 : vector<512x768xf32>
    %add3A_122 = vector.broadcast %slice3A_11 : vector<1x768xf32> to vector<512x768xf32>
    %add3A_123 = arith.addf %mul3A_121, %add3A_122 : vector<512x768xf32>
    %get3A_124 = arith.constant 0 : index
    %get3A_125 = arith.constant 0 : index
    %get3A_126 = vector.load %arg10[%get3A_124, %get3A_125] : memref<3072x768xf32, #tpu.memory_space<vmem>>, vector<3072x768xf32>
    %dot_general3A_127 = arith.constant dense<0.000000e+00> : vector<512x3072xf32>
    %dot_general3A_128 = tpu.matmul %add3A_123, %get3A_126, %dot_general3A_127 {dimension_numbers = #tpu.dot_dimension_numbers<[1], [1], [0], [0], [0, 0, 1, 0], [], []>, transpose_lhs_hint = false} : vector<512x768xf32>, vector<3072x768xf32>, vector<512x3072xf32> -> vector<512x3072xf32>
    %get3A_129 = arith.constant 0 : index
    %get3A_130 = arith.constant 0 : index
    %get3A_131 = vector.load %arg11[%get3A_129, %get3A_130] : memref<1x3072xf32, #tpu.memory_space<vmem>>, vector<1x3072xf32>
    %add3A_132 = vector.broadcast %get3A_131 : vector<1x3072xf32> to vector<512x3072xf32>
    %add3A_133 = arith.addf %dot_general3A_128, %add3A_132 : vector<512x3072xf32>
    %integer_pow3A_134 = arith.mulf %add3A_133, %add3A_133 : vector<512x3072xf32>
    %integer_pow3A_135 = arith.mulf %add3A_133, %integer_pow3A_134 : vector<512x3072xf32>
    %mul3A_136 = arith.constant 4.471500e-02 : f32
    %mul3A_137 = vector.broadcast %mul3A_136 : f32 to vector<512x3072xf32>
    %mul3A_138 = arith.mulf %mul3A_137, %integer_pow3A_135 : vector<512x3072xf32>
    %add3A_139 = arith.addf %add3A_133, %mul3A_138 : vector<512x3072xf32>
    %mul3A_140 = arith.constant 0.797884583 : f32
    %mul3A_141 = vector.broadcast %mul3A_140 : f32 to vector<512x3072xf32>
    %mul3A_142 = arith.mulf %mul3A_141, %add3A_139 : vector<512x3072xf32>
    %tanh3A_143 = math.tanh %mul3A_142 : vector<512x3072xf32>
    %add3A_144 = arith.constant 1.000000e+00 : f32
    %add3A_145 = vector.broadcast %add3A_144 : f32 to vector<512x3072xf32>
    %add3A_146 = arith.addf %add3A_145, %tanh3A_143 : vector<512x3072xf32>
    %mul3A_147 = arith.constant 5.000000e-01 : f32
    %mul3A_148 = vector.broadcast %mul3A_147 : f32 to vector<512x3072xf32>
    %mul3A_149 = arith.mulf %mul3A_148, %add3A_146 : vector<512x3072xf32>
    %mul3A_150 = arith.mulf %add3A_133, %mul3A_149 : vector<512x3072xf32>
    %get3A_151 = arith.constant 0 : index
    %get3A_152 = arith.constant 0 : index
    %get3A_153 = vector.load %arg12[%get3A_151, %get3A_152] : memref<768x3072xf32, #tpu.memory_space<vmem>>, vector<768x3072xf32>
    %dot_general3A_154 = arith.constant dense<0.000000e+00> : vector<512x768xf32>
    %dot_general3A_155 = tpu.matmul %mul3A_150, %get3A_153, %dot_general3A_154 {dimension_numbers = #tpu.dot_dimension_numbers<[1], [1], [0], [0], [0, 0, 1, 0], [], []>, transpose_lhs_hint = false} : vector<512x3072xf32>, vector<768x3072xf32>, vector<512x768xf32> -> vector<512x768xf32>
    %get3A_156 = arith.constant 0 : index
    %get3A_157 = arith.constant 0 : index
    %get3A_158 = vector.load %arg13[%get3A_156, %get3A_157] : memref<1x768xf32, #tpu.memory_space<vmem>>, vector<1x768xf32>
    %add3A_159 = vector.broadcast %get3A_158 : vector<1x768xf32> to vector<512x768xf32>
    %add3A_160 = arith.addf %dot_general3A_155, %add3A_159 : vector<512x768xf32>
    %mul3A_161 = vector.broadcast %slice3A_13 : vector<1x768xf32> to vector<512x768xf32>
    %mul3A_162 = arith.mulf %mul3A_161, %add3A_160 : vector<512x768xf32>
    %add3A_163 = arith.addf %add3A_93, %mul3A_162 : vector<512x768xf32>
    %swap3A = arith.constant 0 : index
    %swap3A_164 = arith.constant 0 : index
    %swap3A_165 = arith.constant 0 : index
    %swap3A_166 = vector.load %arg14[%swap3A, %swap3A_164, %swap3A_165] : memref<1x1024x768xf32, #tpu.memory_space<vmem>>, vector<1x512x768xf32>
    %swap3A_167 = vector.shape_cast %swap3A_166 : vector<1x512x768xf32> to vector<512x768xf32>
    %swap3A_168 = vector.shape_cast %add3A_163 : vector<512x768xf32> to vector<1x512x768xf32>
    tpu.vector_store %arg14[%swap3A, %swap3A_164, %swap3A_165], %swap3A_168 {strides = array<i32>} : memref<1x1024x768xf32, #tpu.memory_space<vmem>>, vector<1x512x768xf32>,
    %slice3A_169 = vector.extract_strided_slice %get3A_3 {offsets = [512, 0], sizes = [512, 768], strides = [1, 1]} : vector<1024x768xf32> to vector<512x768xf32>
    %slice3A_170 = vector.extract_strided_slice %add3A_88 {offsets = [512, 0], sizes = [512, 768], strides = [1, 1]} : vector<1024x768xf32> to vector<512x768xf32>
    %mul3A_171 = vector.broadcast %slice3A_10 : vector<1x768xf32> to vector<512x768xf32>
    %mul3A_172 = arith.mulf %mul3A_171, %slice3A_170 : vector<512x768xf32>
    %add3A_173 = arith.addf %slice3A_169, %mul3A_172 : vector<512x768xf32>
    %reduce_sum3A_174 = arith.constant dense<0.000000e+00> : vector<512xf32>
    %reduce_sum3A_175 = vector.multi_reduction <add>, %add3A_173, %reduce_sum3A_174 [1] : vector<512x768xf32> to vector<512xf32>
    %broadcast_in_dim3A_176 = vector.shape_cast %reduce_sum3A_175 : vector<512xf32> to vector<512x1xf32>
    %div3A_177 = arith.constant 7.680000e+02 : f32
    %div3A_178 = vector.broadcast %div3A_177 : f32 to vector<512x1xf32>
    %div3A_179 = arith.divf %broadcast_in_dim3A_176, %div3A_178 : vector<512x1xf32>
    %sub3A_180 = vector.broadcast %div3A_179 : vector<512x1xf32> to vector<512x768xf32>
    %sub3A_181 = arith.subf %add3A_173, %sub3A_180 : vector<512x768xf32>
    %integer_pow3A_182 = arith.mulf %sub3A_181, %sub3A_181 : vector<512x768xf32>
    %reduce_sum3A_183 = arith.constant dense<0.000000e+00> : vector<512xf32>
    %reduce_sum3A_184 = vector.multi_reduction <add>, %integer_pow3A_182, %reduce_sum3A_183 [1] : vector<512x768xf32> to vector<512xf32>
    %broadcast_in_dim3A_185 = vector.shape_cast %reduce_sum3A_184 : vector<512xf32> to vector<512x1xf32>
    %div3A_186 = arith.constant 7.680000e+02 : f32
    %div3A_187 = vector.broadcast %div3A_186 : f32 to vector<512x1xf32>
    %div3A_188 = arith.divf %broadcast_in_dim3A_185, %div3A_187 : vector<512x1xf32>
    %sub3A_189 = vector.broadcast %div3A_179 : vector<512x1xf32> to vector<512x768xf32>
    %sub3A_190 = arith.subf %add3A_173, %sub3A_189 : vector<512x768xf32>
    %add3A_191 = arith.constant 9.99999997E-7 : f32
    %add3A_192 = vector.broadcast %add3A_191 : f32 to vector<512x1xf32>
    %add3A_193 = arith.addf %div3A_188, %add3A_192 : vector<512x1xf32>
    %rsqrt3A_194 = math.rsqrt %add3A_193 : vector<512x1xf32>
    %mul3A_195 = vector.broadcast %rsqrt3A_194 : vector<512x1xf32> to vector<512x768xf32>
    %mul3A_196 = arith.mulf %sub3A_190, %mul3A_195 : vector<512x768xf32>
    %add3A_197 = arith.constant 1.000000e+00 : f32
    %add3A_198 = vector.broadcast %add3A_197 : f32 to vector<1x768xf32>
    %add3A_199 = arith.addf %add3A_198, %slice3A_12 : vector<1x768xf32>
    %mul3A_200 = vector.broadcast %add3A_199 : vector<1x768xf32> to vector<512x768xf32>
    %mul3A_201 = arith.mulf %mul3A_196, %mul3A_200 : vector<512x768xf32>
    %add3A_202 = vector.broadcast %slice3A_11 : vector<1x768xf32> to vector<512x768xf32>
    %add3A_203 = arith.addf %mul3A_201, %add3A_202 : vector<512x768xf32>
    %get3A_204 = arith.constant 0 : index
    %get3A_205 = arith.constant 0 : index
    %get3A_206 = vector.load %arg10[%get3A_204, %get3A_205] : memref<3072x768xf32, #tpu.memory_space<vmem>>, vector<3072x768xf32>
    %dot_general3A_207 = arith.constant dense<0.000000e+00> : vector<512x3072xf32>
    %dot_general3A_208 = tpu.matmul %add3A_203, %get3A_206, %dot_general3A_207 {dimension_numbers = #tpu.dot_dimension_numbers<[1], [1], [0], [0], [0, 0, 1, 0], [], []>, transpose_lhs_hint = false} : vector<512x768xf32>, vector<3072x768xf32>, vector<512x3072xf32> -> vector<512x3072xf32>
    %get3A_209 = arith.constant 0 : index
    %get3A_210 = arith.constant 0 : index
    %get3A_211 = vector.load %arg11[%get3A_209, %get3A_210] : memref<1x3072xf32, #tpu.memory_space<vmem>>, vector<1x3072xf32>
    %add3A_212 = vector.broadcast %get3A_211 : vector<1x3072xf32> to vector<512x3072xf32>
    %add3A_213 = arith.addf %dot_general3A_208, %add3A_212 : vector<512x3072xf32>
    %integer_pow3A_214 = arith.mulf %add3A_213, %add3A_213 : vector<512x3072xf32>
    %integer_pow3A_215 = arith.mulf %add3A_213, %integer_pow3A_214 : vector<512x3072xf32>
    %mul3A_216 = arith.constant 4.471500e-02 : f32
    %mul3A_217 = vector.broadcast %mul3A_216 : f32 to vector<512x3072xf32>
    %mul3A_218 = arith.mulf %mul3A_217, %integer_pow3A_215 : vector<512x3072xf32>
    %add3A_219 = arith.addf %add3A_213, %mul3A_218 : vector<512x3072xf32>
    %mul3A_220 = arith.constant 0.797884583 : f32
    %mul3A_221 = vector.broadcast %mul3A_220 : f32 to vector<512x3072xf32>
    %mul3A_222 = arith.mulf %mul3A_221, %add3A_219 : vector<512x3072xf32>
    %tanh3A_223 = math.tanh %mul3A_222 : vector<512x3072xf32>
    %add3A_224 = arith.constant 1.000000e+00 : f32
    %add3A_225 = vector.broadcast %add3A_224 : f32 to vector<512x3072xf32>
    %add3A_226 = arith.addf %add3A_225, %tanh3A_223 : vector<512x3072xf32>
    %mul3A_227 = arith.constant 5.000000e-01 : f32
    %mul3A_228 = vector.broadcast %mul3A_227 : f32 to vector<512x3072xf32>
    %mul3A_229 = arith.mulf %mul3A_228, %add3A_226 : vector<512x3072xf32>
    %mul3A_230 = arith.mulf %add3A_213, %mul3A_229 : vector<512x3072xf32>
    %get3A_231 = arith.constant 0 : index
    %get3A_232 = arith.constant 0 : index
    %get3A_233 = vector.load %arg12[%get3A_231, %get3A_232] : memref<768x3072xf32, #tpu.memory_space<vmem>>, vector<768x3072xf32>
    %dot_general3A_234 = arith.constant dense<0.000000e+00> : vector<512x768xf32>
    %dot_general3A_235 = tpu.matmul %mul3A_230, %get3A_233, %dot_general3A_234 {dimension_numbers = #tpu.dot_dimension_numbers<[1], [1], [0], [0], [0, 0, 1, 0], [], []>, transpose_lhs_hint = false} : vector<512x3072xf32>, vector<768x3072xf32>, vector<512x768xf32> -> vector<512x768xf32>
    %get3A_236 = arith.constant 0 : index
    %get3A_237 = arith.constant 0 : index
    %get3A_238 = vector.load %arg13[%get3A_236, %get3A_237] : memref<1x768xf32, #tpu.memory_space<vmem>>, vector<1x768xf32>
    %add3A_239 = vector.broadcast %get3A_238 : vector<1x768xf32> to vector<512x768xf32>
    %add3A_240 = arith.addf %dot_general3A_235, %add3A_239 : vector<512x768xf32>
    %mul3A_241 = vector.broadcast %slice3A_13 : vector<1x768xf32> to vector<512x768xf32>
    %mul3A_242 = arith.mulf %mul3A_241, %add3A_240 : vector<512x768xf32>
    %add3A_243 = arith.addf %add3A_173, %mul3A_242 : vector<512x768xf32>
    %swap3A_244 = arith.constant 0 : index
    %swap3A_245 = arith.constant 512 : index
    %swap3A_246 = arith.constant 0 : index
    %swap3A_247 = vector.load %arg14[%swap3A_244, %swap3A_245, %swap3A_246] : memref<1x1024x768xf32, #tpu.memory_space<vmem>>, vector<1x512x768xf32>
    %swap3A_248 = vector.shape_cast %swap3A_247 : vector<1x512x768xf32> to vector<512x768xf32>
    %swap3A_249 = vector.shape_cast %add3A_243 : vector<512x768xf32> to vector<1x512x768xf32>
    tpu.vector_store %arg14[%swap3A_244, %swap3A_245, %swap3A_246], %swap3A_249 {strides = array<i32>} : memref<1x1024x768xf32, #tpu.memory_space<vmem>>, vector<1x512x768xf32>,
    return
  }
  func.func @transform_0(%arg0: i32, %arg1: memref<16xi32, #tpu.memory_space<smem>>) -> (i32, i32, i32) {
    %c0_i32 = arith.constant 0 : i32
    %c0_i32_0 = arith.constant 0 : i32
    %c0_i32_1 = arith.constant 0 : i32
    return %arg0, %c0_i32, %c0_i32_0 : i32, i32, i32
  }
  func.func @transform_1(%arg0: i32, %arg1: memref<16xi32, #tpu.memory_space<smem>>) -> (i32, i32, i32) {
    %c0_i32 = arith.constant 0 : i32
    %c0_i32_0 = arith.constant 0 : i32
    %c0_i32_1 = arith.constant 0 : i32
    return %arg0, %c0_i32, %c0_i32_0 : i32, i32, i32
  }
  func.func @transform_2(%arg0: i32, %arg1: memref<16xi32, #tpu.memory_space<smem>>) -> (i32, i32, i32) {
    %get3A = arith.index_cast %arg0 : i32 to index
    %get3A_0 = memref.load %arg1[%get3A] : memref<16xi32, #tpu.memory_space<smem>>
    %c0_i32 = arith.constant 0 : i32
    %c0_i32_1 = arith.constant 0 : i32
    %c0_i32_2 = arith.constant 0 : i32
    return %get3A_0, %c0_i32, %c0_i32_1 : i32, i32, i32
  }
  func.func @transform_3(%arg0: i32, %arg1: memref<16xi32, #tpu.memory_space<smem>>) -> (i32, i32, i32) {
    %get3A = arith.index_cast %arg0 : i32 to index
    %get3A_0 = memref.load %arg1[%get3A] : memref<16xi32, #tpu.memory_space<smem>>
    %c0_i32 = arith.constant 0 : i32
    %c0_i32_1 = arith.constant 0 : i32
    %c0_i32_2 = arith.constant 0 : i32
    return %get3A_0, %c0_i32, %c0_i32_1 : i32, i32, i32
  }
  func.func @transform_4(%arg0: i32, %arg1: memref<16xi32, #tpu.memory_space<smem>>) -> (i32, i32, i32) {
    %get3A = arith.index_cast %arg0 : i32 to index
    %get3A_0 = memref.load %arg1[%get3A] : memref<16xi32, #tpu.memory_space<smem>>
    %c0_i32 = arith.constant 0 : i32
    %c0_i32_1 = arith.constant 0 : i32
    %c0_i32_2 = arith.constant 0 : i32
    return %get3A_0, %c0_i32, %c0_i32_1 : i32, i32, i32
  }
  func.func @transform_5(%arg0: i32, %arg1: memref<16xi32, #tpu.memory_space<smem>>) -> (i32, i32, i32) {
    %get3A = arith.index_cast %arg0 : i32 to index
    %get3A_0 = memref.load %arg1[%get3A] : memref<16xi32, #tpu.memory_space<smem>>
    %c0_i32 = arith.constant 0 : i32
    %c0_i32_1 = arith.constant 0 : i32
    %c0_i32_2 = arith.constant 0 : i32
    return %get3A_0, %c0_i32, %c0_i32_1 : i32, i32, i32
  }
  func.func @transform_6(%arg0: i32, %arg1: memref<16xi32, #tpu.memory_space<smem>>) -> (i32, i32) {
    %c0_i32 = arith.constant 0 : i32
    %c0_i32_0 = arith.constant 0 : i32
    %c0_i32_1 = arith.constant 0 : i32
    return %c0_i32, %c0_i32_0 : i32, i32
  }
  func.func @transform_7(%arg0: i32, %arg1: memref<16xi32, #tpu.memory_space<smem>>) -> (i32, i32) {
    %c0_i32 = arith.constant 0 : i32
    %c0_i32_0 = arith.constant 0 : i32
    %c0_i32_1 = arith.constant 0 : i32
    return %c0_i32, %c0_i32_0 : i32, i32
  }
  func.func @transform_8(%arg0: i32, %arg1: memref<16xi32, #tpu.memory_space<smem>>) -> (i32, i32) {
    %c0_i32 = arith.constant 0 : i32
    %c0_i32_0 = arith.constant 0 : i32
    %c0_i32_1 = arith.constant 0 : i32
    return %c0_i32, %c0_i32_0 : i32, i32
  }
  func.func @transform_9(%arg0: i32, %arg1: memref<16xi32, #tpu.memory_space<smem>>) -> (i32, i32) {
    %c0_i32 = arith.constant 0 : i32
    %c0_i32_0 = arith.constant 0 : i32
    %c0_i32_1 = arith.constant 0 : i32
    return %c0_i32, %c0_i32_0 : i32, i32
  }
  func.func @transform_10(%arg0: i32, %arg1: memref<16xi32, #tpu.memory_space<smem>>) -> (i32, i32) {
    %c0_i32 = arith.constant 0 : i32
    %c0_i32_0 = arith.constant 0 : i32
    %c0_i32_1 = arith.constant 0 : i32
    return %c0_i32, %c0_i32_0 : i32, i32
  }
  func.func @transform_11(%arg0: i32, %arg1: memref<16xi32, #tpu.memory_space<smem>>) -> (i32, i32) {
    %c0_i32 = arith.constant 0 : i32
    %c0_i32_0 = arith.constant 0 : i32
    %c0_i32_1 = arith.constant 0 : i32
    return %c0_i32, %c0_i32_0 : i32, i32
  }
  func.func @transform_12(%arg0: i32, %arg1: memref<16xi32, #tpu.memory_space<smem>>) -> (i32, i32, i32) {
    %c0_i32 = arith.constant 0 : i32
    %c0_i32_0 = arith.constant 0 : i32
    %c0_i32_1 = arith.constant 0 : i32
    return %arg0, %c0_i32, %c0_i32_0 : i32, i32, i32
  }
}

</mosaic_0001>

<sc_bundles>
// kernel: kernel.5.cloned.1.call-start
scs
__scs_entry_jumppad:
0x0: {  	(pc) =	sbr.rel $0x88, $3  }
0x1: {  	(tag) =	ssettag $0x0;
	lr =	simm.s32 $0x1  }
0x2: {  	[smem:$0x3F92] =	sst lr;
	_ =	strace $0xD0000000  }
0x3: {  	_ = 	snop  }
0x4: {  	_ = 	snop  }
0x5: {  	_ = 	snop  }
0x6: {  	_ = 	snop  }
0x7: {  	_ = 	snop  }
__scs_overlays_trampoline_lowered:
0x8: {  	[smem:$0x3FA1] =	sst s0  }
0x9: {  	[smem:$0x3FA2] =	sst s1  }
0xa: {  	[smem:$0x3FA3] =	sst s2  }
0xb: {  	[smem:$0x3FA4] =	sst s3  }
0xc: {  	[smem:$0x3FA5] =	sst s4  }
0xd: {  	[smem:$0x3FA6] =	sst s5  }
0xe: {  	[smem:$0x3FA7] =	sst s6  }
0xf: {  	[smem:$0x3FA8] =	sst s7  }
0x10: {  	[smem:$0x3FA9] =	sst s8  }
0x11: {  	[smem:$0x3FAA] =	sst s9;
	s0 =	simm.s32 @!p0 $0x0  }
0x12: {  	s1 =	sld [smem:$0x3F90];
	s0 =	simm.s32 @p0 $0x1  }
0x13: {  	[smem:$0x3FAB] =	sst s0;
	s0 =	simm.s32 @!p1 $0x0  }
0x14: {  	s2 =	sld [smem:$0x3F8F];
	s0 =	simm.s32 @p1 $0x1  }
0x15: {  	[smem:$0x3FAC] =	sst s0;
	s0 =	simm.s32 @!p2 $0x0  }
0x16: {  	s3 =	sld [smem:$0x3FDB];
	s0 =	simm.s32 @p2 $0x1  }
0x17: {  	s4 =	simm.s32 $0x1BF5;
	[smem:$0x3FAE] =	sst s0  }
0x18: {  	s0 =	sld [smem:$0x3F91];
	_ =	swait.ge [sflag:s4], $0x0  }
0x19: {  	s7 =	sld [smem:$0x3F92]  }
0x1a: {  	s8 =	sadd.s32 $0xFFFFE003, lr  }
0x1b: {  	s9 =	sadd.s32 $0xFFFFFEF7, lr;
	s5 =	simm.s32 $0xFFFFFFFF;
	p2 =	slt.u32 s8, $0xFFFFF086  }
0x1c: {  	p1 =	slt.u32 s9, $0xF7A;
	s5 =	simm.s32 @!p2 $0x0  }
0x1d: {  	s5 =	simm.s32 @p1 $0x1;
	p0 =	seq.s32 s7, s2  }
0x1e: {  	s7 =	smul.u32 @!p0 $0xF7A, s2;
	p2 =	seq.s32 @!p0 s5, $0x0  }
0x1f: {  	s9 =	smul.u32 $0xF7A, s1;
	s8 =	simm.s32 @!p0 $0x1BF5;
	p2 =	por !p2, p0  }
0x20: {  	[sflag:s8] =	ssyncset.s32 @!p0 $0xFFFFF086;
	s6 =	sadd.s32 @!p0 s3, s7;
	s7 =	simm.s32 @!p0 $0x108  }
0x21: {  	s3 =	sadd.s32 s3, s9;
	s6 =	sadd.s32 @!p0 $0x88, s6;
	s7 =	simm.s32 @p2 $0x1082  }
0x22: {  	[simem:s7], [sflag:s8] =	dma.local @!p0 [hbm:s6], $0xF7A  }
0x23: {  	s9 =	sor.u32 $0xD0000000, s2;
	s6 =	simm.s32 $0x108;
	_ =	swait.ge @!p0 [sflag:s8], $0x0  }
0x24: {  	s3 =	sadd.s32 $0x88, s3;
	s6 =	simm.s32 @!p1 $0x1082;
	[sflag:s4] =	ssyncset.s32 $0xFFFFF086  }
0x25: {  	[simem:s6], [sflag:s4] =	dma.local [hbm:s3], $0xF7A  }
0x26: {  	[smem:$0x3F92] =	sst s1;
	(tag) =	ssettag s2;
	_ =	strace s9  }
0x27: {  	s1 =	sld [smem:$0x3FA2]  }
0x28: {  	s2 =	sld [smem:$0x3FA3]  }
0x29: {  	s4 =	sld [smem:$0x3FA5]  }
0x2a: {  	p0 =	seq.s32 s5, $0x0;
	s5 =	sld [smem:$0x3FA6]  }
0x2b: {  	s6 =	sld [smem:$0x3FA7]  }
0x2c: {  	s7 =	sld [smem:$0x3FA8]  }
0x2d: {  	s3 =	simm.s32 $0x108;
	s8 =	sld [smem:$0x3FA9]  }
0x2e: {  	s3 =	simm.s32 @!p0 $0x1082;
	s9 =	sld [smem:$0x3FAA]  }
0x2f: {  	lr =	sadd.s32 s0, s3;
	s0 =	sld [smem:$0x3FA1]  }
0x30: {  	s3 =	sld [smem:$0x3FA4]  }
0x31: {  	[smem:$0x3FAD] =	sst s10  }
0x32: {  	s10 =	sld [smem:$0x3FAB];
	_ =	sdelay $0x3  }
0x33: {  	p0 =	seq.s32 s10, $0x1;
	s10 =	sld [smem:$0x3FAD];
	_ =	sdelay $0x3  }
0x34: {  	[smem:$0x3FAD] =	sst s10  }
0x35: {  	s10 =	sld [smem:$0x3FAC];
	_ =	sdelay $0x3  }
0x36: {  	p1 =	seq.s32 s10, $0x1;
	s10 =	sld [smem:$0x3FAD];
	_ =	sdelay $0x3  }
0x37: {  	[smem:$0x3FAD] =	sst s10  }
0x38: {  	s10 =	sld [smem:$0x3FAE]  }
0x39: {  	_ = 	snop;
	(pc) =	sbr.ind lr, $3  }
0x3a: {  	_ = 	snop  }
0x3b: {  	_ = 	snop  }
0x3c: {  	p2 =	seq.s32 s10, $0x1;
	s10 =	sld [smem:$0x3FAD]  }
0x3d: {  	_ =	shalt  }
0x3e: {  	_ =	shalt  }
0x3f: {  	_ =	shalt  }
0x40: {  	_ =	shalt  }
0x41: {  	_ =	shalt  }
0x42: {  	_ =	shalt  }
0x43: {  	_ =	shalt  }
0x44: {  	_ =	shalt  }
0x45: {  	_ =	shalt  }
0x46: {  	_ =	shalt  }
0x47: {  	_ =	shalt  }
0x48: {  	_ =	shalt  }
0x49: {  	_ =	shalt  }
0x4a: {  	_ =	shalt  }
0x4b: {  	_ =	shalt  }
0x4c: {  	_ =	shalt  }
0x4d: {  	_ =	shalt  }
0x4e: {  	_ =	shalt  }
0x4f: {  	_ =	shalt  }
0x50: {  	_ =	shalt  }
0x51: {  	_ =	shalt  }
0x52: {  	_ =	shalt  }
0x53: {  	_ =	shalt  }
0x54: {  	_ =	shalt  }
0x55: {  	_ =	shalt  }
0x56: {  	_ =	shalt  }
0x57: {  	_ =	shalt  }
0x58: {  	_ =	shalt  }
0x59: {  	_ =	shalt  }
0x5a: {  	_ =	shalt  }
0x5b: {  	_ =	shalt  }
0x5c: {  	_ =	shalt  }
0x5d: {  	_ =	shalt  }
0x5e: {  	_ =	shalt  }
0x5f: {  	_ =	shalt  }
0x60: {  	_ =	shalt  }
0x61: {  	_ =	shalt  }
0x62: {  	_ =	shalt  }
0x63: {  	_ =	shalt  }
0x64: {  	_ =	shalt  }
0x65: {  	_ =	shalt  }
0x66: {  	_ =	shalt  }
0x67: {  	_ =	shalt  }
0x68: {  	_ =	shalt  }
0x69: {  	_ =	shalt  }
0x6a: {  	_ =	shalt  }
0x6b: {  	_ =	shalt  }
0x6c: {  	_ =	shalt  }
0x6d: {  	_ =	shalt  }
0x6e: {  	_ =	shalt  }
0x6f: {  	_ =	shalt  }
0x70: {  	_ =	shalt  }
0x71: {  	_ =	shalt  }
0x72: {  	_ =	shalt  }
0x73: {  	_ =	shalt  }
0x74: {  	_ =	shalt  }
0x75: {  	_ =	shalt  }
0x76: {  	_ =	shalt  }
0x77: {  	_ =	shalt  }
0x78: {  	_ =	shalt  }
0x79: {  	_ =	shalt  }
0x7a: {  	_ =	shalt  }
0x7b: {  	_ =	shalt  }
0x7c: {  	_ =	shalt  }
0x7d: {  	_ =	shalt  }
0x7e: {  	_ =	shalt  }
0x7f: {  	_ =	shalt  }
0x80: {  	_ =	shalt  }
0x81: {  	_ =	shalt  }
0x82: {  	_ =	shalt  }
0x83: {  	_ =	shalt  }
0x84: {  	_ =	shalt  }
0x85: {  	_ =	shalt  }
0x86: {  	_ =	shalt  }
0x87: {  	_ =	shalt  }
.Lfunc_end0:
.L_simem_size_0:
called_computation_lowered:
.L_overlay_start_0:
0x88: {  	s2 =	sld [smem:$0x3FD9]  }
0x89: {  	s3 =	sld [smem:$0x3FFE];
	_ =	sdelay $0x1  }
0x8a: {  	s1 =	srdreg.scid  }
0x8b: {  	s0 =	sand.u32 $0x1, s1  }
0x8c: {  	s14 =	sshll.u32 s0, $0xA;
	s2 =	sadd.s32 s3, s2  }
0x8d: {  	s2 =	sadd.s32 s2, s14  }
0x8e: {  	[smem:$0x3FB9] =	sst s2  }
0x8f: {  	_ = 	snop  }
0x90: {  	s2 =	sld [smem:$0x3FD0];
	_ =	sdelay $0x2  }
0x91: {  	s15 =	simm.s32 $0xA;
	s4 =	simm.s32 $0x10  }
0x92: {  	[smem:s4], [sflag:s15] =	dma.local [hbm:s2], $0x1  }
0x93: {  	_ =	swait.eq [sflag:s15], $0x1  }
0x94: {  	[sflag:s15] =	ssyncset.done $0x0  }
0x95: {  	s16 =	sld [smem:$0x10];
	[sflag:s15] =	ssyncadd.s32 $0xFFFFFFFF  }
0x96: {  	s17 =	sld [smem:$0x11];
	(tm) =	ssettm $0x1  }
0x97: {  	s18 =	sld [smem:$0x3FFB];
	_ =	sdelay $0x3  }
0x98: {  	_ =	strace s18  }
0x99: {  	s4 =	sld [smem:$0x3FFC];
	_ =	sdelay $0x3  }
0x9a: {  	_ =	strace s4  }
0x9b: {  	s4 =	sld [smem:$0x3FFD];
	_ =	sdelay $0x3  }
0x9c: {  	_ =	strace s4  }
0x9d: {  	_ =	strace $0x8FFFFFFF  }
0x9e: {  	s19 =	sld [smem:$0x3FDB];
	_ =	sdelay $0x1  }
0x9f: {  	s5 =	simm.s32 $_scs_section_size  }
0xa0: {  	s6 =	simm.s32 $_size__tile_overlayer_lowered;
	s7 =	simm.s32 $_tile_overlayer_lowered  }
0xa1: {  	s22 =	simm.s32 $0x1BFF;
	s21 =	sshll.u32 s7, $0x1;
	s4 =	sadd.s32 s5, s19  }
0xa2: {  	s8 =	simm.s32 $0x0;
	s20 =	sshll.u32 s6, $0x1;
	s6 =	sadd.s32 s21, s4  }
0xa3: {  	[timem:s8], [sflag:s22] =	dma.local [hbm:s6], s20  }
0xa4: {  	_ =	swait.ge [sflag:s22], s20  }
0xa5: {  	s5 =	ssub.s32 $0x0, s20;
	[sflag:s22] =	ssyncset.done $0x0  }
0xa6: {  	[sflag:s22] =	ssyncadd.s32 s5;
	_ =	sdelay $0x1  }
0xa7: {  	s23 =	simm.s32 $0x1B8B  }
0xa8: {  	_ =	swait.ge [sflag:s23], $0x1  }
0xa9: {  	[sflag:s23] =	ssyncset.done $0x0  }
0xaa: {  	s25 =	simm.s32 $0x1B8E;
	s24 =	sld [smem:$0x3FFE];
	[sflag:s23] =	ssyncadd.s32 $0xFFFFFFFF  }
0xab: {  	s26 =	simm.s32 $execute0_lowered;
	[smem:$0x3FD2] =	sst s25  }
0xac: {  	s6 =	sshll.u32 s26, $0x1;
	_ =	strace $0x80000046;
	[dreg:$0x1] =	wrdreg $0xFFFFFFFF  }
0xad: {  	s28 =	simm.s32 $_size_execute0_lowered;
	s4 =	sadd.s32 s4, s6;
	[dreg:$0x0] =	wrdreg $0x0  }
0xae: {  	s6 =	sshll.u32 s28, $0x1;
	[dreg:$0x2] =	wrdreg s4  }
0xaf: {  	[dreg:$0x3] =	wrdreg s6  }
0xb0: {  	[dreg:$0x4] =	wrdreg $0xC0  }
0xb1: {  	_ =	task [dreg:s8], $0x5FFFF  }
0xb2: {  	[dreg:$0x1] =	wrdreg $0xFFFFFFFF  }
0xb3: {  	[dreg:$0x0] =	wrdreg $0x60  }
0xb4: {  	[dreg:$0x2] =	wrdreg s16  }
0xb5: {  	[dreg:$0x3] =	wrdreg s24  }
0xb6: {  	[dreg:$0x4] =	wrdreg s17  }
0xb7: {  	[dreg:$0x5] =	wrdreg $0x9  }
0xb8: {  	_ =	task.clear_ibuf [dreg:s8], $0x6FFFF;
	_ =	strace $0x90000046  }
0xb9: {  	s29 =	simm.s32 $0x9;
	_ =	strace $0x80000048  }
0xba: {  	_ =	swait.ge [sflag:s29], $0x1  }
0xbb: {  	[sflag:s29] =	ssyncadd.s32 $0xFFFFFFFF  }
0xbc: {  	_ =	strace $0x90000048  }
0xbd: {  	_ =	sfence  }
0xbe: {  	s30 =	sld [smem:$0x0];
	_ =	sdelay $0x2  }
0xbf: {  	s31 =	sshll.u32 s1, $0xD;
	s1 =	sshrl.u32 s1, $0x2  }
0xc0: {  	s3 =	sand.u32 $0x4000, s31;
	s1 =	sadd.s32 s1, s30  }
0xc1: {  	s0 =	sor.u32 s3, s0;
	s1 =	sshll.u32 s1, $0x11  }
0xc2: {  	s0 =	sor.u32 s1, s0  }
0xc3: {  	s0 =	sadd.s32 $0x8F2B, s0  }
0xc4: {  	[sflag:s0] =	ssyncadd.remote.s32 $0x1  }
0xc5: {  	_ =	sfence.sel $0xFFFF  }
0xc6: {  	[dreg:$0x0] =	wrdreg $0xFFFFFFFF;
	(pc) =	sbr.abs _section_cstart, $3  }
0xc7: {  	[dreg:$0x1] =	wrdreg $0xFFFFFFFF  }
0xc8: {  	_ =	task.clear_ibuf [dreg:s8], $0x2FFFF;
	_ =	strace $0x9FFFFFFF  }
0xc9: {  	(tm) =	ssettm $0x7FFFFFFF  }
tec
execute0_lowered:
.L_overlay_start_1:
0x0: {  	(tag) =	ssettag $0x1  }
0x1: {  	s0 =	srdreg.scid  }
0x2: {  	s7 =	sand.u32 $0x1, s0;
	s0 =	stileid.u32  }
0x3: {  	s4 =	sshll.u32 s0, $0x1;
	s5 =	ssub.s32 $0x0, s7  }
0x4: {  	p0 =	sne.s32 s4, s5  }
.Ltmp0:
0x5: {  	_ = 	snop;
	(pc) =	sbr.rel @p0 .LBB2_4-.Ltmp0, $4  }
0x6: {  	s2 =	rddreg [dreg:$0x0]  }
0x7: {  	s6 =	rddreg [dreg:$0x1]  }
0x8: {  	s3 =	rddreg [dreg:$0x2]  }
0x9: {  	s1 =	rddreg [dreg:$0x3];
	_ =	strace $0x80000047  }
0xa: {  	v0 =	vimm.s32 $0xEFCDAB89;
	s5 =	simm.s32 $0x0;
	s4 =	simm.s32 $0x1  }
0xb: {  	v1 =	vimm.s32 $0x67452301;
	[tilespmem:s5], [sflag:$0x1] =	stream.linear.gather [hbm4b:s2+s5], $0x200, $0x38;
	[tilespmem:$0x300] =	vst v63  }
0xc: {  	v2 =	vimm.s32 $0xDCFE98BA;
	v0 =	vunpack.c.l.s4.s8 v0;
	v1 =	vunpack.c.l.s4.s8 v1;
	_ =	swait.ge [sflag:s4], $0x200  }
0xd: {  	v3 =	vimm.s32 $0x54761032;
	v4 =	vimm.s32 $0xBA98FEDC;
	v5 =	vimm.s32 $0x32107654;
	[sflag:s4] =	ssyncset.done $0x0  }
0xe: {  	v2 =	vunpack.c.l.s4.s8 v2;
	v0 =	vunpack.c.0.s8.s32 v0;
	v1 =	vunpack.c.0.s8.s32 v1;
	[sflag:s4] =	ssyncadd.s32 $0xFFFFFE00  }
0xf: {  	v3 =	vunpack.c.l.s4.s8 v3;
	v4 =	vunpack.c.l.s4.s8 v4;
	v5 =	vunpack.c.l.s4.s8 v5;
	v6 =	vld [tilespmem:$0x0]  }
0x10: {  	v0 =	vcombine.low v1, v0;
	v1 =	vunpack.c.0.s8.s32 v2  }
0x11: {  	v2 =	vunpack.c.0.s8.s32 v3;
	v3 =	vunpack.c.0.s8.s32 v4;
	v4 =	vunpack.c.0.s8.s32 v5;
	v5 =	vld [tilespmem:$0x80]  }
0x12: {  	v7 =	vld [tilespmem:$0x100];
	v0 =	vand.u32 $0xF, v0  }
0x13: {  	v8 =	vld [tilespmem:$0x180];
	v1 =	vcombine.low v2, v1;
	v2 =	vcombine.low v4, v3;
	v3 =	vimm.s32 $0xFEDCBA98  }
0x14: {  	v4 =	vimm.s32 $0x76543210;
	v3 =	vunpack.c.l.s4.s8 v3;
	v9 =	vperm.xlane v6, v0  }
0x15: {  	v4 =	vunpack.c.l.s4.s8 v4;
	v1 =	vand.u32 $0xF, v1;
	v2 =	vand.u32 $0xF, v2  }
0x16: {  	v3 =	vunpack.c.0.s8.s32 v3;
	v10 =	vperm.xlane v5, v0;
	v9 =	vmax.f32 v6, v9  }
0x17: {  	v4 =	vunpack.c.0.s8.s32 v4;
	v11 =	vperm.xlane v7, v0;
	v12 =	vperm.xlane v9, v1  }
0x18: {  	v13 =	vperm.xlane v8, v0;
	v3 =	vand.u32 $0xF, v3;
	v10 =	vmax.f32 v5, v10  }
0x19: {  	v11 =	vmax.f32 v7, v11;
	v14 =	vperm.xlane v10, v1;
	v9 =	vmax.f32 v9, v12  }
0x1a: {  	v13 =	vmax.f32 v8, v13;
	v18 =	vperm.xlane v11, v1;
	v15 =	vperm.xlane v9, v2  }
0x1b: {  	v3 =	vcombine.low v3, v4;
	v19 =	vperm.xlane v13, v1;
	v4 =	vmax.f32 v10, v14  }
0x1c: {  	v11 =	vmax.f32 v11, v18;
	v14 =	vperm.xlane v4, v2;
	v9 =	vmax.f32 v9, v15  }
0x1d: {  	v10 =	vmax.f32 v13, v19;
	v12 =	vperm.xlane v11, v2;
	v20 =	vperm.xlane v9, v3  }
0x1e: {  	v21 =	vperm.xlane v10, v2;
	v4 =	vmax.f32 v4, v14  }
0x1f: {  	v11 =	vmax.f32 v11, v12;
	v22 =	vperm.xlane v4, v3;
	v9 =	vmax.f32 v9, v20  }
0x20: {  	v10 =	vmax.f32 v10, v21;
	v12 =	vperm.xlane v11, v3;
	v13 =	vsub.f32 v6, v9  }
0x21: {  	v23 =	vmax.f32 v4, v22;
	v4 =	vperm.xlane v10, v3  }
0x22: {  	v11 =	vmax.f32 v11, v12;
	v15 =	vsub.f32 v5, v23;
	v24 =	vmul.f32 $1.442695020e+00, v13  }
0x23: {  	v25 =	vsub.f32 v7, v11  }
0x24: {  	v10 =	vmax.f32 v10, v4;
	v4 =	vmul.f32 $1.442695020e+00, v15;
	(erf) = vpow2.f32 v24  }
0x25: {  	v26 =	vsub.f32 v8, v10  }
0x26: {  	v13 =	vmul.f32 $1.442695020e+00, v25;
	(erf) = vpow2.f32 v4  }
0x27: {  	v12 =	vmul.f32 $1.442695020e+00, v26  }
0x28: {  	(erf) = vpow2.f32 v13  }
0x29: {  	vm0 =	veq.f32 v5, v23;
	v4 =	vlaneseq.u32;
	(erf) = vpow2.f32 v12  }
0x2a: {  	v27 =	vnsel vm0, $0x10, v4;
	vm0 =	veq.f32 v6, v9  }
0x2b: {  	v5 =	vimm.f32 $0.0e+00;
	v6 =	vnsel vm0, $0x10, v4;
	v28 =	vperm.xlane v27, v0  }
0x2c: {  	vm1 =	veq.f32 v8, v10;
	vm0 =	veq.f32 v7, v11;
	v7 =	vperm.xlane v6, v0  }
0x2d: {  	v32 =	vnsel vm1, $0x10, v4;
	v11 =	vnsel vm0, $0x10, v4;
	vm0 =	vlt.s32 v27, v28;
	v30 =	vpop (erf)  }
0x2e: {  	v29 =	vperm.xlane v11, v0;
	vm2 =	vlt.s32 v6, v7;
	v31 =	vperm.xlane v30, v0  }
0x2f: {  	v35 =	vperm.xlane v32, v0;
	v9 =	vsel vm0, v27, v28;
	v6 =	vsel vm2, v6, v7;
	v33 =	vpop (erf)  }
0x30: {  	vm0 =	vlt.s32 v11, v29;
	v34 =	vperm.xlane v33, v0;
	v10 =	vadd.f32 v30, v31  }
0x31: {  	v7 =	vperm.xlane v9, v1;
	v16 =	vperm.xlane v6, v1;
	v11 =	vsel vm0, v11, v29;
	v17 =	vpop (erf)  }
0x32: {  	v18 =	vperm.xlane v17, v0;
	v19 =	vpop (erf);
	v15 =	vadd.f32 v33, v34;
	v20 =	vperm.xlane v10, v1  }
0x33: {  	vm0 =	vlt.s32 v9, v7;
	v21 =	vperm.xlane v11, v1;
	v22 =	vperm.xlane v19, v0  }
0x34: {  	v18 =	vadd.f32 v17, v18;
	v23 =	vperm.xlane v15, v1;
	v10 =	vadd.f32 v10, v20  }
0x35: {  	vm1 =	vlt.s32 v6, v16;
	v7 =	vsel vm0, v9, v7;
	v36 =	vadd.f32 v19, v22  }
0x36: {  	v37 =	vperm.xlane v18, v1;
	v15 =	vadd.f32 v15, v23;
	v38 =	vperm.xlane v10, v2  }
0x37: {  	vm0 =	vlt.s32 v32, v35;
	v6 =	vsel vm1, v6, v16;
	v39 =	vperm.xlane v36, v1  }
0x38: {  	v18 =	vadd.f32 v18, v37;
	v40 =	vperm.xlane v15, v2;
	v10 =	vadd.f32 v10, v38  }
0x39: {  	v41 =	vperm.xlane v7, v2;
	vm1 =	vlt.s32 v11, v21;
	v9 =	vadd.f32 v36, v39  }
0x3a: {  	v43 =	vperm.xlane v18, v2;
	v15 =	vadd.f32 v15, v40;
	v44 =	vperm.xlane v10, v3  }
0x3b: {  	v12 =	vsel vm0, v32, v35;
	v42 =	vperm.xlane v6, v2;
	v24 =	vperm.xlane v9, v2  }
0x3c: {  	v16 =	vadd.f32 v18, v43;
	v45 =	vperm.xlane v15, v3;
	v10 =	vadd.f32 v10, v44  }
0x3d: {  	v11 =	vsel vm1, v11, v21;
	vm3 =	vlt.s32 v7, v41;
	v9 =	vadd.f32 v9, v24  }
0x3e: {  	v46 =	vperm.xlane v16, v3;
	v15 =	vadd.f32 v15, v45;
	(erf) = vrcp.f32 v10  }
0x3f: {  	v49 =	vperm.xlane v11, v2;
	vm2 =	vlt.s32 v6, v42;
	v7 =	vsel vm3, v7, v41  }
0x40: {  	v48 =	vperm.xlane v9, v3;
	v16 =	vadd.f32 v16, v46;
	(erf) = vrcp.f32 v15  }
0x41: {  	v13 =	vperm.xlane v12, v1;
	v6 =	vsel vm2, v6, v42;
	v50 =	vperm.xlane v7, v3  }
0x42: {  	vm1 =	vlt.s32 v11, v49;
	v9 =	vadd.f32 v9, v48;
	(erf) = vrcp.f32 v16  }
0x43: {  	v47 =	vperm.xlane v6, v3;
	v11 =	vsel vm1, v11, v49;
	vm1 =	vlt.s32 v12, v13  }
0x44: {  	vm2 =	vlt.s32 v7, v50;
	v51 =	vperm.xlane v11, v3;
	(erf) = vrcp.f32 v9  }
0x45: {  	v12 =	vsel vm1, v12, v13;
	vm0 =	vlt.s32 v6, v47;
	v7 =	vsel vm2, v7, v50  }
0x46: {  	v52 =	vperm.xlane v12, v2;
	vm1 =	veq.s32 v7, v4;
	v6 =	vsel vm0, v6, v47  }
0x47: {  	vm0 =	veq.s32 v6, v4;
	v53 =	vsel vm1, $0x3F800000, v5;
	vm1 =	vlt.s32 v11, v51;
	v54 =	vpop (erf)  }
0x48: {  	v9 =	vsel vm1, v11, v51;
	vm1 =	vlt.s32 v12, v52;
	v8 =	vmul.f32 v54, v30  }
0x49: {  	v55 =	vsel vm0, $0x3F800000, v5;
	vm0 =	veq.s32 v9, v4;
	v10 =	vsel vm1, v12, v52;
	v56 =	vpop (erf)  }
0x4a: {  	v58 =	vperm.xlane v10, v3;
	v57 =	vmul.f32 v56, v33;
	v8 =	vadd.f32 $0.0e+00, v8  }
0x4b: {  	v11 =	vadd.f32 v53, v55;
	v59 =	vsel vm0, $0x3F800000, v5;
	v60 =	vpop (erf)  }
0x4c: {  	vm0 =	vlt.s32 v10, v58;
	v15 =	vmul.f32 v60, v17;
	v8 =	vadd.f32 v57, v8  }
0x4d: {  	v11 =	vadd.f32 v59, v11;
	v10 =	vsel vm0, v10, v58;
	v61 =	vpop (erf)  }
0x4e: {  	vm0 =	veq.s32 v10, v4;
	v12 =	vmul.f32 v61, v19;
	v8 =	vadd.f32 v15, v8  }
0x4f: {  	v62 =	vsel vm0, $0x3F800000, v5  }
0x50: {  	v11 =	vadd.f32 v62, v11;
	v8 =	vadd.f32 v12, v8;
	_ =	sdelay $0x1  }
0x51: {  	v8 =	vmul.f32 v11, v8;
	_ =	sdelay $0x1  }
0x52: {  	v8 =	vmul.f32 $6.250000000e-01, v8;
	_ =	sdelay $0x1  }
0x53: {  	v63 =	vperm.xlane v8, v0;
	_ =	sdelay $0x1  }
0x54: {  	v8 =	vadd.f32 v8, v63;
	_ =	sdelay $0x1  }
0x55: {  	v11 =	vperm.xlane v8, v1;
	_ =	sdelay $0x1  }
0x56: {  	v8 =	vadd.f32 v8, v11;
	_ =	sdelay $0x1  }
0x57: {  	v11 =	vperm.xlane v8, v2;
	_ =	sdelay $0x1  }
0x58: {  	s7 =	ssub.s32 $0x2, s7;
	vm0 =	vmmov $0x1;
	v8 =	vadd.f32 v8, v11  }
0x59: {  	s8 =	sshrl.u32 s7, $0x1;
	vm1 =	vcmask $0x310;
	v6 =	vnsel vm0, $0x0, v6  }
0x5a: {  	s7 =	ssub.s32 s7, s8;
	vm2 =	vcmask $0x710;
	v6 =	vsel vm1, v6, v7;
	v7 =	vperm.xlane v8, v3  }
0x5b: {  	s9 =	smax.u32 s7, $0x1;
	vm3 =	vcmask $0xB10;
	v6 =	vsel vm2, v6, v9  }
0x5c: {  	p0 =	sne.s32 s9, $0x1;
	v6 =	vsel vm3, v6, v10;
	v7 =	vadd.f32 v8, v7  }
.Ltmp1:
0x5d: {  	[tilespmem:$0x200] =	vst v6;
	(pc) =	sbr.rel @!p0 .LBB2_3-.Ltmp1, $4  }
0x5e: {  	s6 =	sadd.s32 $0x1A00, s6;
	s7 =	simm.s32 $0x200;
	[tilespmem:$0x280] =	vst v7  }
0x5f: {  	[hbm4b:s6+s5] =	stream.linear.scatter [tilespmem:s7], [sflag:$0x1], $0x80, $0x38;
	[tilespmem:$0x300] =	vst v63  }
0x60: {  	_ =	swait.ge [sflag:s4], $0x80  }
0x61: {  	s8 =	simm.s32 $0x280;
	s9 =	sadd.s32 $0xFFFFFFFF, s9;
	[sflag:s4] =	ssyncset.done $0x0  }
.LBB2_2:
0x62: {  	p0 =	sne.s32 s9, $0x1;
	s9 =	sadd.s32 $0xFFFFFFFF, s9;
	[sflag:s4] =	ssyncadd.s32 $0xFFFFFF80  }
0x63: {  	[hbm4b:s3+s5] =	stream.linear.scatter [tilespmem:s8], [sflag:$0x1], $0x80, $0x38;
	[tilespmem:$0x300] =	vst v63  }
0x64: {  	_ =	swait.ge [sflag:s4], $0x80  }
0x65: {  	[sflag:s4] =	ssyncset.done $0x0  }
0x66: {  	[sflag:s4] =	ssyncadd.s32 $0xFFFFFF80  }
0x67: {  	[tilespmem:s5], [sflag:$0x1] =	stream.linear.gather [hbm4b:s2+s5], $0x200, $0x38;
	[tilespmem:$0x300] =	vst v63  }
0x68: {  	_ =	swait.ge [sflag:s4], $0x200  }
0x69: {  	[sflag:s4] =	ssyncset.done $0x0  }
0x6a: {  	[sflag:s4] =	ssyncadd.s32 $0xFFFFFE00  }
0x6b: {  	v6 =	vld [tilespmem:$0x0]  }
0x6c: {  	v7 =	vld [tilespmem:$0x80]  }
0x6d: {  	v8 =	vld [tilespmem:$0x100]  }
0x6e: {  	v9 =	vld [tilespmem:$0x180];
	_ =	sdelay $0x1  }
0x6f: {  	v10 =	vperm.xlane v6, v0  }
0x70: {  	v11 =	vperm.xlane v7, v0  }
0x71: {  	v10 =	vmax.f32 v6, v10;
	v12 =	vperm.xlane v8, v0  }
0x72: {  	v13 =	vperm.xlane v10, v1;
	v11 =	vmax.f32 v7, v11;
	v14 =	vperm.xlane v9, v0  }
0x73: {  	v15 =	vperm.xlane v11, v1;
	v12 =	vmax.f32 v8, v12  }
0x74: {  	v10 =	vmax.f32 v10, v13;
	v13 =	vperm.xlane v12, v1;
	v14 =	vmax.f32 v9, v14  }
0x75: {  	v16 =	vperm.xlane v10, v2;
	v11 =	vmax.f32 v11, v15;
	v15 =	vperm.xlane v14, v1  }
0x76: {  	v17 =	vperm.xlane v11, v2;
	v12 =	vmax.f32 v12, v13  }
0x77: {  	v10 =	vmax.f32 v10, v16;
	v13 =	vperm.xlane v12, v2;
	v14 =	vmax.f32 v14, v15  }
0x78: {  	v15 =	vperm.xlane v10, v3;
	v11 =	vmax.f32 v11, v17;
	v16 =	vperm.xlane v14, v2  }
0x79: {  	v17 =	vperm.xlane v11, v3;
	v12 =	vmax.f32 v12, v13  }
0x7a: {  	v10 =	vmax.f32 v10, v15;
	v13 =	vperm.xlane v12, v3;
	v14 =	vmax.f32 v14, v16  }
0x7b: {  	v15 =	vsub.f32 v6, v10;
	v11 =	vmax.f32 v11, v17;
	v16 =	vperm.xlane v14, v3  }
0x7c: {  	v17 =	vsub.f32 v7, v11;
	vm4 =	veq.f32 v7, v11;
	v7 =	vmax.f32 v12, v13  }
0x7d: {  	v11 =	vmul.f32 $1.442695020e+00, v15;
	v12 =	vsub.f32 v8, v7;
	v13 =	vmax.f32 v14, v16  }
0x7e: {  	v15 =	vnsel vm4, $0x10, v4;
	v14 =	vmul.f32 $1.442695020e+00, v17;
	v16 =	vsub.f32 v9, v13  }
0x7f: {  	vm4 =	veq.f32 v6, v10;
	v6 =	vmul.f32 $1.442695020e+00, v12;
	(erf) = vpow2.f32 v11  }
0x80: {  	v10 =	vnsel vm4, $0x10, v4;
	v11 =	vmul.f32 $1.442695020e+00, v16;
	(erf) = vpow2.f32 v14  }
0x81: {  	vm4 =	veq.f32 v8, v7;
	v12 =	vperm.xlane v15, v0;
	(erf) = vpow2.f32 v6  }
0x82: {  	v7 =	vnsel vm4, $0x10, v4;
	v6 =	vperm.xlane v10, v0;
	(erf) = vpow2.f32 v11  }
0x83: {  	vm5 =	veq.f32 v9, v13;
	v8 =	vperm.xlane v7, v0;
	vm4 =	vlt.s32 v15, v12  }
0x84: {  	v9 =	vsel vm4, v15, v12;
	v11 =	vnsel vm5, $0x10, v4;
	vm6 =	vlt.s32 v10, v6  }
0x85: {  	vm4 =	vlt.s32 v7, v8;
	v14 =	vperm.xlane v9, v1;
	v6 =	vsel vm6, v10, v6  }
0x86: {  	v7 =	vsel vm4, v7, v8;
	v8 =	vperm.xlane v11, v0;
	v12 =	vperm.xlane v6, v1  }
0x87: {  	v13 =	vperm.xlane v7, v1;
	vm4 =	vlt.s32 v9, v14  }
0x88: {  	v9 =	vsel vm4, v9, v14;
	vm4 =	vlt.s32 v11, v8;
	vm5 =	vlt.s32 v6, v12;
	v10 =	vpop (erf)  }
0x89: {  	v6 =	vsel vm5, v6, v12;
	v12 =	vperm.xlane v9, v2;
	v14 =	vperm.xlane v10, v0;
	v15 =	vpop (erf)  }
0x8a: {  	vm5 =	vlt.s32 v7, v13;
	v16 =	vperm.xlane v6, v2;
	v17 =	vperm.xlane v15, v0;
	v18 =	vpop (erf)  }
0x8b: {  	vm6 =	vlt.s32 v9, v12;
	v14 =	vadd.f32 v10, v14;
	v19 =	vperm.xlane v18, v0;
	v20 =	vpop (erf)  }
0x8c: {  	vm7 =	vlt.s32 v6, v16;
	v17 =	vadd.f32 v15, v17;
	v21 =	vperm.xlane v20, v0  }
0x8d: {  	v6 =	vsel vm7, v6, v16;
	v22 =	vperm.xlane v14, v1;
	v16 =	vadd.f32 v18, v19  }
0x8e: {  	v19 =	vperm.xlane v6, v3;
	v23 =	vperm.xlane v17, v1;
	v21 =	vadd.f32 v20, v21  }
0x8f: {  	v9 =	vsel vm6, v9, v12;
	v14 =	vadd.f32 v14, v22;
	v12 =	vperm.xlane v16, v1  }
0x90: {  	v7 =	vsel vm5, v7, v13;
	v17 =	vadd.f32 v17, v23;
	v13 =	vperm.xlane v21, v1  }
0x91: {  	vm5 =	vlt.s32 v6, v19;
	v22 =	vperm.xlane v14, v2;
	v12 =	vadd.f32 v16, v12  }
0x92: {  	v23 =	vperm.xlane v7, v2;
	v16 =	vperm.xlane v17, v2;
	v13 =	vadd.f32 v21, v13  }
0x93: {  	v21 =	vperm.xlane v9, v3;
	v14 =	vadd.f32 v14, v22;
	v22 =	vperm.xlane v12, v2  }
0x94: {  	vm6 =	vlt.s32 v7, v23;
	v16 =	vadd.f32 v17, v16;
	v17 =	vperm.xlane v13, v2  }
0x95: {  	vm7 =	vlt.s32 v9, v21;
	v24 =	vperm.xlane v14, v3;
	v12 =	vadd.f32 v12, v22  }
0x96: {  	v7 =	vsel vm6, v7, v23;
	v22 =	vperm.xlane v16, v3;
	v13 =	vadd.f32 v13, v17  }
0x97: {  	v9 =	vsel vm7, v9, v21;
	v14 =	vadd.f32 v14, v24;
	v17 =	vperm.xlane v12, v3  }
0x98: {  	vm6 =	veq.s32 v9, v4;
	v16 =	vadd.f32 v16, v22;
	v21 =	vperm.xlane v13, v3  }
0x99: {  	v6 =	vsel vm5, v6, v19;
	v12 =	vadd.f32 v12, v17;
	(erf) = vrcp.f32 v14  }
0x9a: {  	v14 =	vperm.xlane v7, v3;
	v13 =	vadd.f32 v13, v21;
	(erf) = vrcp.f32 v16  }
0x9b: {  	v8 =	vsel vm4, v11, v8;
	vm5 =	veq.s32 v6, v4;
	(erf) = vrcp.f32 v12  }
0x9c: {  	v11 =	vsel vm6, $0x3F800000, v5;
	vm4 =	vlt.s32 v7, v14;
	(erf) = vrcp.f32 v13  }
0x9d: {  	v12 =	vsel vm5, $0x3F800000, v5;
	v7 =	vsel vm4, v7, v14;
	v13 =	vperm.xlane v8, v1  }
0x9e: {  	v6 =	vnsel vm0, $0x0, v6;
	v11 =	vadd.f32 v11, v12;
	vm4 =	veq.s32 v7, v4  }
0x9f: {  	v6 =	vsel vm1, v6, v9;
	v9 =	vsel vm4, $0x3F800000, v5;
	vm4 =	vlt.s32 v8, v13  }
0xa0: {  	v9 =	vadd.f32 v9, v11;
	v8 =	vsel vm4, v8, v13  }
0xa1: {  	v13 =	vperm.xlane v8, v2  }
0xa2: {  	v12 =	vpop (erf)  }
0xa3: {  	vm4 =	vlt.s32 v8, v13;
	v10 =	vmul.f32 v12, v10;
	v12 =	vpop (erf)  }
0xa4: {  	v8 =	vsel vm4, v8, v13;
	v12 =	vmul.f32 v12, v15;
	v11 =	vpop (erf)  }
0xa5: {  	v13 =	vperm.xlane v8, v3;
	v10 =	vadd.f32 $0.0e+00, v10;
	v11 =	vmul.f32 v11, v18;
	v14 =	vpop (erf)  }
0xa6: {  	v14 =	vmul.f32 v14, v20  }
0xa7: {  	vm4 =	vlt.s32 v8, v13;
	v10 =	vadd.f32 v12, v10  }
0xa8: {  	v6 =	vsel vm2, v6, v7;
	v7 =	vsel vm4, v8, v13  }
0xa9: {  	vm4 =	veq.s32 v7, v4;
	v6 =	vsel vm3, v6, v7;
	v8 =	vadd.f32 v11, v10  }
0xaa: {  	v7 =	vsel vm4, $0x3F800000, v5;
	[tilespmem:$0x200] =	vst v6  }
0xab: {  	v7 =	vadd.f32 v7, v9;
	v6 =	vadd.f32 v14, v8;
	_ =	sdelay $0x1  }
0xac: {  	v6 =	vmul.f32 v7, v6;
	_ =	sdelay $0x1  }
0xad: {  	v6 =	vmul.f32 $6.250000000e-01, v6;
	_ =	sdelay $0x1  }
0xae: {  	v7 =	vperm.xlane v6, v0;
	_ =	sdelay $0x1  }
0xaf: {  	v6 =	vadd.f32 v6, v7;
	_ =	sdelay $0x1  }
0xb0: {  	v7 =	vperm.xlane v6, v1;
	_ =	sdelay $0x1  }
0xb1: {  	v6 =	vadd.f32 v6, v7;
	_ =	sdelay $0x1  }
0xb2: {  	v7 =	vperm.xlane v6, v2;
	_ =	sdelay $0x1  }
0xb3: {  	v6 =	vadd.f32 v6, v7;
	_ =	sdelay $0x1  }
0xb4: {  	v7 =	vperm.xlane v6, v3;
	_ =	sdelay $0x1  }
0xb5: {  	v6 =	vadd.f32 v6, v7  }
.Ltmp2:
0xb6: {  	(pc) =	sbr.rel @p0 .LBB2_2-.Ltmp2, $4  }
0xb7: {  	[tilespmem:$0x280] =	vst v6  }
0xb8: {  	[hbm4b:s6+s5] =	stream.linear.scatter [tilespmem:s7], [sflag:$0x1], $0x80, $0x38;
	[tilespmem:$0x300] =	vst v63  }
0xb9: {  	_ =	swait.ge [sflag:s4], $0x80  }
0xba: {  	[sflag:s4] =	ssyncset.done $0x0  }
.LBB2_3:
0xbb: {  	[sflag:s4] =	ssyncadd.s32 $0xFFFFFF80  }
0xbc: {  	[hbm4b:s3+s5] =	stream.linear.scatter [tilespmem:s8], [sflag:$0x1], $0x80, $0x38;
	[tilespmem:$0x300] =	vst v63  }
0xbd: {  	_ =	swait.ge [sflag:s4], $0x80  }
0xbe: {  	[sflag:s4] =	ssyncset.done $0x0  }
0xbf: {  	[sflag:s4] =	ssyncadd.s32 $0xFFFFFF80  }
.LBB2_4:
0xc0: {  	_ =	sfence.sel $0x180000  }
0xc1: {  	[bflag:$0x0] =	sbarrier.arrive $0xFFFF  }
0xc2: {  	p0 =	sne.s32 s0, $0x0;
	_ =	strace $0x90000047  }
0xc3: {  	s0 =	sadd.s32 @!p0 $0x100000, s1;
	[bflag:$0x2] =	sbarrier.arrive $0xFFFF  }
0xc4: {  	[sflag:s0] =	ssyncadd.tile.s32 @!p0 $0x1;
	_ =	shalt  }
.Lfunc_end2:
_tile_overlayer_lowered:
.L_overlay_start_2:
0xc5: {  	(tag) =	ssettag $0x2  }
0xc6: {  	s0 =	rddreg [dreg:$0x0];
	s2 =	stileid.u32  }
0xc7: {  	s1 =	rddreg [dreg:$0x1];
	p0 =	sne.s32 s2, $0x0  }
0xc8: {  	s3 =	rddreg [dreg:$0x2];
	[bflag:$0x3] =	sbarrier.arrive $0xFFFF;
	s2 =	simm.s32 @!p0 $0x1C01  }
0xc9: {  	[timem:s3], [sflag:s2] =	dma.local @!p0 [hbm:s0], s1  }
0xca: {  	s0 =	simm.s32 @!p0 $0x1  }
0xcb: {  	_ =	swait.ge @!p0 [sflag:s0], s1  }
0xcc: {  	s1 =	ssub.s32 @!p0 $0x0, s1;
	[sflag:s0] =	ssyncset.done @!p0 $0x0  }
0xcd: {  	[sflag:s0] =	ssyncadd.s32 @!p0 s1  }
0xce: {  	[bflag:$0x3] =	sbarrier.arrive $0xFFFF  }
0xcf: {  	_ =	shalt  }

</sc_bundles>
